<compile_context>
chip_gen: v7x
topology: tpu7x:2x2x1
jax: 0.10.2.dev20260603
libtpu: 0.0.44.dev20260713+nightly
codegen_flags: <defaults>
</compile_context>

<pallas_src>
import functools
import math

import jax
import jax.numpy as jnp
from jax import lax
from jax.experimental import pallas as pl
from jax.experimental.pallas import tpu as pltpu
from jax.experimental.pallas import tpu_sc as plsc

N_PREDICT = 3
EMB_DIM = 4096
INNER_DIM = 1024
VOCAB = 32000
SEQ = 2048
STATE_WEIGHT = 0.5 ** (0.5 / N_PREDICT)
EMB_WEIGHT = math.sqrt((1.0 - STATE_WEIGHT ** 2) * (INNER_DIM / 2.0))
ALPHA = EMB_WEIGHT / STATE_WEIGHT
EPS = 1e-06

_RB = 512
_VB = 1280


def _rms(x):
    return x * jax.lax.rsqrt(jnp.mean(x * x, axis=-1, keepdims=True) + EPS)


def _gelu(x):
    return x * 0.5 * (1.0 + jax.lax.erf(x * (0.5 ** 0.5)))


def _proj0_kernel(state_ref, p0_ref, m0_ref, p0_bf):
    @pl.when(pl.program_id(0) == 0)
    def _cast_weights():
        p0_bf[...] = p0_ref[...].astype(jnp.bfloat16)

    x = state_ref[0]
    s = _rms(x) * (0.5 ** 0.5)
    m0_ref[...] = jax.lax.dot_general(s.astype(jnp.bfloat16), p0_bf[...],
                                      (((1,), (1,)), ((), ())),
                                      preferred_element_type=jnp.float32)


def _chain_kernel(m0_ref, z_ref, pr_ref, lnw_ref, lnb_ref, h_ref, pr_bf):
    @pl.when(pl.program_id(0) == 0)
    def _cast_weights():
        pr_bf[...] = pr_ref[...].astype(jnp.bfloat16)

    s = None
    for i in range(N_PREDICT):
        if i == 0:
            m = m0_ref[...]
        else:
            m = jax.lax.dot_general(s.astype(jnp.bfloat16), pr_bf[i - 1],
                                    (((1,), (1,)), ((), ())),
                                    preferred_element_type=jnp.float32)
        t = m + ALPHA * z_ref[i]
        t = _rms(t) * lnw_ref[i][None, :] + lnb_ref[i][None, :]
        s = _gelu(t)
        h_ref[i] = s.astype(jnp.bfloat16)


def _logits_kernel(h_ref, w_ref, out_ref):
    h = h_ref[0]
    w = w_ref[0].astype(jnp.bfloat16)
    out_ref[0, 0] = jax.lax.dot_general(
        h, w, (((1,), (1,)), ((), ())), preferred_element_type=jnp.float32)


def _sc_gather(emb_flat, idx_all, n):
    info = plsc.get_sparse_core_info()
    nc, ns = info.num_cores, info.num_subcores
    nw = nc * ns
    rows_w = n // nw

    mesh = plsc.VectorSubcoreMesh(core_axis_name="c", subcore_axis_name="s")

    @functools.partial(
        pl.kernel,
        out_type=jax.ShapeDtypeStruct((N_PREDICT * n, INNER_DIM), jnp.float32),
        mesh=mesh,
        scratch_types=[
            pltpu.VMEM((rows_w,), jnp.int32),
            pltpu.VMEM((rows_w, INNER_DIM), jnp.float32),
            pltpu.SemaphoreType.DMA,
        ],
    )
    def gather_k(table_hbm, idx_hbm, out_hbm, idx_v, rows_v, sem):
        wid = lax.axis_index("s") * nc + lax.axis_index("c")
        for i in range(N_PREDICT):
            base = i * n + wid * rows_w
            pltpu.sync_copy(idx_hbm.at[pl.ds(base, rows_w)], idx_v)
            pltpu.async_copy(table_hbm.at[idx_v], rows_v, sem).wait()
            pltpu.sync_copy(rows_v, out_hbm.at[pl.ds(base, rows_w)])

    return gather_k(emb_flat, idx_all)


def kernel(state, inds, emb_w, proj0_w, proj_rest_w, head_w, ln_w, ln_b):
    n = state.shape[1]
    idx_all = jnp.concatenate(
        [inds[0, i:i + n] + i * VOCAB for i in range(N_PREDICT)])
    z = _sc_gather(emb_w.reshape(N_PREDICT * VOCAB, INNER_DIM), idx_all, n)
    z = z.reshape(N_PREDICT, n, INNER_DIM)

    nr = n // _RB
    m0 = pl.pallas_call(
        _proj0_kernel,
        grid=(nr,),
        in_specs=[
            pl.BlockSpec((1, _RB, EMB_DIM), lambda r: (0, r, 0)),
            pl.BlockSpec((INNER_DIM, EMB_DIM), lambda r: (0, 0)),
        ],
        out_specs=pl.BlockSpec((_RB, INNER_DIM), lambda r: (r, 0)),
        out_shape=jax.ShapeDtypeStruct((n, INNER_DIM), jnp.float32),
        scratch_shapes=[pltpu.VMEM((INNER_DIM, EMB_DIM), jnp.bfloat16)],
        compiler_params=pltpu.CompilerParams(vmem_limit_bytes=100 * 2 ** 20),
    )(state, proj0_w)

    h_all = pl.pallas_call(
        _chain_kernel,
        grid=(nr,),
        in_specs=[
            pl.BlockSpec((_RB, INNER_DIM), lambda r: (r, 0)),
            pl.BlockSpec((N_PREDICT, _RB, INNER_DIM), lambda r: (0, r, 0)),
            pl.BlockSpec((N_PREDICT - 1, INNER_DIM, INNER_DIM), lambda r: (0, 0, 0)),
            pl.BlockSpec((N_PREDICT, INNER_DIM), lambda r: (0, 0)),
            pl.BlockSpec((N_PREDICT, INNER_DIM), lambda r: (0, 0)),
        ],
        out_specs=pl.BlockSpec((N_PREDICT, _RB, INNER_DIM), lambda r: (0, r, 0)),
        out_shape=jax.ShapeDtypeStruct((N_PREDICT, n, INNER_DIM), jnp.bfloat16),
        scratch_shapes=[
            pltpu.VMEM((N_PREDICT - 1, INNER_DIM, INNER_DIM), jnp.bfloat16),
        ],
        compiler_params=pltpu.CompilerParams(vmem_limit_bytes=100 * 2 ** 20),
    )(m0, z, proj_rest_w, ln_w, ln_b)

    nv = VOCAB // _VB
    logits = pl.pallas_call(
        _logits_kernel,
        grid=(N_PREDICT, nv),
        in_specs=[
            pl.BlockSpec((1, n, INNER_DIM), lambda h, v: (h, 0, 0)),
            pl.BlockSpec((1, _VB, INNER_DIM), lambda h, v: (h, v, 0)),
        ],
        out_specs=pl.BlockSpec((1, 1, n, _VB), lambda h, v: (h, 0, 0, v)),
        out_shape=jax.ShapeDtypeStruct((N_PREDICT, 1, n, VOCAB), jnp.float32),
        compiler_params=pltpu.CompilerParams(vmem_limit_bytes=100 * 2 ** 20),
    )(h_all, head_w)
    return logits

# --- scband reference (transcript-rebuilt; emitter-appended) ---
"""Pipeline reference for scband-mlpspeculator-65034394796440 (READ-ONLY COPY).

The authoritative reference and input builder live on the scoring server;
editing this copy changes nothing except your own understanding.
"""

import math
import jax, jax.numpy as jnp
import numpy as np

N_PREDICT = 3
EMB_DIM = 4096
INNER_DIM = 1024
VOCAB = 32000
BATCH = 1
SEQ = 2048
STATE_WEIGHT = 0.5 ** (0.5 / N_PREDICT)
EMB_WEIGHT = math.sqrt((1.0 - STATE_WEIGHT ** 2) * (INNER_DIM / 2.0))
EPS = 1e-06


def _rmsnorm(x, w=None, b=None):
    # LayerNormParameterized default: use_mean=False -> RMS norm
    x = x * jax.lax.rsqrt(jnp.mean(x * x, axis=-1, keepdims=True) + EPS)
    if w is not None:
        x = w * x
    if b is not None:
        x = x + b
    return x


def setup_inputs(seed: int = 0) -> dict:
    key = jax.random.key(seed)
    ks = jax.random.split(key, 10)
    s = 1.0 / math.sqrt(INNER_DIM)
    inp = {}
    inp["state"] = jax.random.normal(ks[0], (BATCH, SEQ, EMB_DIM), dtype=jnp.float32)
    inp["inds"] = jax.random.randint(ks[1], (BATCH, SEQ + N_PREDICT), 0, VOCAB, dtype=jnp.int32)
    # learned parameters (stacked per head where shapes match)
    inp["emb_w"] = jax.random.normal(ks[2], (N_PREDICT, VOCAB, INNER_DIM), dtype=jnp.float32) * s
    inp["proj0_w"] = jax.random.normal(ks[3], (INNER_DIM, EMB_DIM), dtype=jnp.float32) * s
    inp["proj_rest_w"] = jax.random.normal(ks[4], (N_PREDICT - 1, INNER_DIM, INNER_DIM), dtype=jnp.float32) * s
    inp["head_w"] = jax.random.normal(ks[5], (N_PREDICT, VOCAB, INNER_DIM), dtype=jnp.float32) * s
    inp["ln_w"] = jnp.ones((N_PREDICT, INNER_DIM), dtype=jnp.float32)
    inp["ln_b"] = jnp.zeros((N_PREDICT, INNER_DIM), dtype=jnp.float32)
    return inp


def reference(state, inds, emb_w, proj0_w, proj_rest_w, head_w, ln_w, ln_b):
    n = state.shape[1]
    # scale_input=True: ln0 with no elementwise params, then / sqrt(2)
    state = _rmsnorm(state) / (2.0 ** 0.5)
    alpha = EMB_WEIGHT / STATE_WEIGHT
    outs = []
    for i in range(N_PREDICT):
        z = jnp.take(emb_w[i], inds[:, i:i + n], axis=0)  # [b, n, inner]
        pw = proj0_w if i == 0 else proj_rest_w[i - 1]
        state = state @ pw.T
        state = state + alpha * z
        state = jax.nn.gelu(_rmsnorm(state, ln_w[i], ln_b[i]), approximate=False)
        outs.append(state @ head_w[i].T)  # [b, n, vocab]
    return jnp.stack(outs, axis=0)  # [n_predict, b, n, vocab]

if __name__ == "__main__":
    import jax
    _d = setup_inputs()
    print(jax.jit(kernel)(*tuple(_d.values())))

</pallas_src>

<mosaic_0001>
#map = affine_map<(d0, d1) -> (0, 0)>
#map1 = affine_map<(d0, d1) -> (0)>
module attributes {stable_mosaic.version = 14 : i64} {
  func.func @gather_k(%arg0: i32, %arg1: i32, %arg2: memref<96000x1024xf32, #tpu.memory_space<hbm>>, %arg3: memref<6144xi32, #tpu.memory_space<hbm>>, %arg4: memref<6144x1024xf32, #tpu.memory_space<hbm>>, %arg5: memref<64xi32, #tpu.memory_space<vmem>>, %arg6: memref<64x1024xf32, #tpu.memory_space<vmem>>, %arg7: memref<!tpu.dma_semaphore, #tpu.memory_space<semaphore_mem>>) attributes {dimension_semantics = [#tpu.dimension_semantics<core_parallel>, #tpu.dimension_semantics<subcore_parallel>], iteration_bounds = array<i64: 2, 16>, scalar_prefetch = 0 : i64, scratch_operands = 3 : i64, tpu.core_type = #tpu.core_type<sc_vector_subcore>, window_params = [{transform_indices = #map}, {transform_indices = #map1}, {transform_indices = #map}]} {
    %mul3A = arith.constant 2 : i32
    %mul3A_0 = arith.muli %arg1, %mul3A : i32
    %add3A = arith.addi %mul3A_0, %arg0 : i32
    %mul3A_1 = arith.constant 64 : i32
    %mul3A_2 = arith.muli %add3A, %mul3A_1 : i32
    %add3A_3 = arith.constant 0 : i32
    %add3A_4 = arith.addi %add3A_3, %mul3A_2 : i32
    "tpu.region"() ({
      %run_scoped3A = tpu.sem_alloc : memref<!tpu.dma_semaphore, #tpu.memory_space<semaphore_mem>>
      %dma_start3A_29 = tpu.memref_slice %arg3[%add3A_4] : memref<6144xi32, #tpu.memory_space<hbm>> -> memref<64xi32, #tpu.memory_space<hbm>>
      %dma_start3A_30 = tpu.memref_slice %arg3[%add3A_4] : memref<6144xi32, #tpu.memory_space<hbm>> -> memref<64xi32, #tpu.memory_space<hbm>>
      tpu.enqueue_dma source(%dma_start3A_30 : memref<64xi32, #tpu.memory_space<hbm>>) target(%arg5 : memref<64xi32, #tpu.memory_space<vmem>>) target_semaphore(%run_scoped3A : memref<!tpu.dma_semaphore, #tpu.memory_space<semaphore_mem>>)
      %dma_wait3A_31 = tpu.memref_slice %arg3[%add3A_4] : memref<6144xi32, #tpu.memory_space<hbm>> -> memref<64xi32, #tpu.memory_space<hbm>>
      %dma_wait3A_32 = tpu.memref_slice %arg3[%add3A_4] : memref<6144xi32, #tpu.memory_space<hbm>> -> memref<64xi32, #tpu.memory_space<hbm>>
      tpu.wait_dma2 semaphore(%run_scoped3A : memref<!tpu.dma_semaphore, #tpu.memory_space<semaphore_mem>>) src(%dma_wait3A_32 : memref<64xi32, #tpu.memory_space<hbm>>) dst(%arg5 : memref<64xi32, #tpu.memory_space<vmem>>)
      tpu.yield
    }) : () -> ()
    %dma_start3A = arith.constant 0 : i32
    %dma_start3A_5 = arith.constant 0 : i32
    %dma_start3A_6 = tpu.memref_slice %arg2[%dma_start3A, %dma_start3A_5] : memref<96000x1024xf32, #tpu.memory_space<hbm>> -> memref<96000x1024xf32, #tpu.memory_space<hbm>>
    tpu.enqueue_indirect_dma source(%dma_start3A_6 : memref<96000x1024xf32, #tpu.memory_space<hbm>>) target(%arg6 : memref<64x1024xf32, #tpu.memory_space<vmem>>) offsets(%arg5 : memref<64xi32, #tpu.memory_space<vmem>>) semaphore(%arg7 : memref<!tpu.dma_semaphore, #tpu.memory_space<semaphore_mem>>)
    %dma_wait3A = arith.constant 0 : i32
    %dma_wait3A_7 = arith.constant 0 : i32
    %dma_wait3A_8 = tpu.memref_slice %arg2[%dma_wait3A, %dma_wait3A_7] : memref<96000x1024xf32, #tpu.memory_space<hbm>> -> memref<96000x1024xf32, #tpu.memory_space<hbm>>
    tpu.wait_indirect_dma semaphore(%arg7 : memref<!tpu.dma_semaphore, #tpu.memory_space<semaphore_mem>>) src(%dma_wait3A_8 : memref<96000x1024xf32, #tpu.memory_space<hbm>>) dst(%arg6 : memref<64x1024xf32, #tpu.memory_space<vmem>>)
    "tpu.region"() ({
      %run_scoped3A = tpu.sem_alloc : memref<!tpu.dma_semaphore, #tpu.memory_space<semaphore_mem>>
      %dma_start3A_29 = arith.constant 0 : i32
      %dma_start3A_30 = tpu.memref_slice %arg4[%add3A_4, %dma_start3A_29] : memref<6144x1024xf32, #tpu.memory_space<hbm>> -> memref<64x1024xf32, #tpu.memory_space<hbm>>
      %dma_start3A_31 = arith.constant 0 : i32
      %dma_start3A_32 = tpu.memref_slice %arg4[%add3A_4, %dma_start3A_31] : memref<6144x1024xf32, #tpu.memory_space<hbm>> -> memref<64x1024xf32, #tpu.memory_space<hbm>>
      tpu.enqueue_dma source(%arg6 : memref<64x1024xf32, #tpu.memory_space<vmem>>) target(%dma_start3A_32 : memref<64x1024xf32, #tpu.memory_space<hbm>>) target_semaphore(%run_scoped3A : memref<!tpu.dma_semaphore, #tpu.memory_space<semaphore_mem>>)
      %dma_wait3A_33 = arith.constant 0 : i32
      %dma_wait3A_34 = tpu.memref_slice %arg4[%add3A_4, %dma_wait3A_33] : memref<6144x1024xf32, #tpu.memory_space<hbm>> -> memref<64x1024xf32, #tpu.memory_space<hbm>>
      %dma_wait3A_35 = arith.constant 0 : i32
      %dma_wait3A_36 = tpu.memref_slice %arg4[%add3A_4, %dma_wait3A_35] : memref<6144x1024xf32, #tpu.memory_space<hbm>> -> memref<64x1024xf32, #tpu.memory_space<hbm>>
      tpu.wait_dma2 semaphore(%run_scoped3A : memref<!tpu.dma_semaphore, #tpu.memory_space<semaphore_mem>>) src(%arg6 : memref<64x1024xf32, #tpu.memory_space<vmem>>) dst(%dma_wait3A_36 : memref<64x1024xf32, #tpu.memory_space<hbm>>)
      tpu.yield
    }) : () -> ()
    %mul3A_9 = arith.constant 64 : i32
    %mul3A_10 = arith.muli %add3A, %mul3A_9 : i32
    %add3A_11 = arith.constant 2048 : i32
    %add3A_12 = arith.addi %add3A_11, %mul3A_10 : i32
    "tpu.region"() ({
      %run_scoped3A = tpu.sem_alloc : memref<!tpu.dma_semaphore, #tpu.memory_space<semaphore_mem>>
      %dma_start3A_29 = tpu.memref_slice %arg3[%add3A_12] : memref<6144xi32, #tpu.memory_space<hbm>> -> memref<64xi32, #tpu.memory_space<hbm>>
      %dma_start3A_30 = tpu.memref_slice %arg3[%add3A_12] : memref<6144xi32, #tpu.memory_space<hbm>> -> memref<64xi32, #tpu.memory_space<hbm>>
      tpu.enqueue_dma source(%dma_start3A_30 : memref<64xi32, #tpu.memory_space<hbm>>) target(%arg5 : memref<64xi32, #tpu.memory_space<vmem>>) target_semaphore(%run_scoped3A : memref<!tpu.dma_semaphore, #tpu.memory_space<semaphore_mem>>)
      %dma_wait3A_31 = tpu.memref_slice %arg3[%add3A_12] : memref<6144xi32, #tpu.memory_space<hbm>> -> memref<64xi32, #tpu.memory_space<hbm>>
      %dma_wait3A_32 = tpu.memref_slice %arg3[%add3A_12] : memref<6144xi32, #tpu.memory_space<hbm>> -> memref<64xi32, #tpu.memory_space<hbm>>
      tpu.wait_dma2 semaphore(%run_scoped3A : memref<!tpu.dma_semaphore, #tpu.memory_space<semaphore_mem>>) src(%dma_wait3A_32 : memref<64xi32, #tpu.memory_space<hbm>>) dst(%arg5 : memref<64xi32, #tpu.memory_space<vmem>>)
      tpu.yield
    }) : () -> ()
    %dma_start3A_13 = arith.constant 0 : i32
    %dma_start3A_14 = arith.constant 0 : i32
    %dma_start3A_15 = tpu.memref_slice %arg2[%dma_start3A_13, %dma_start3A_14] : memref<96000x1024xf32, #tpu.memory_space<hbm>> -> memref<96000x1024xf32, #tpu.memory_space<hbm>>
    tpu.enqueue_indirect_dma source(%dma_start3A_15 : memref<96000x1024xf32, #tpu.memory_space<hbm>>) target(%arg6 : memref<64x1024xf32, #tpu.memory_space<vmem>>) offsets(%arg5 : memref<64xi32, #tpu.memory_space<vmem>>) semaphore(%arg7 : memref<!tpu.dma_semaphore, #tpu.memory_space<semaphore_mem>>)
    %dma_wait3A_16 = arith.constant 0 : i32
    %dma_wait3A_17 = arith.constant 0 : i32
    %dma_wait3A_18 = tpu.memref_slice %arg2[%dma_wait3A_16, %dma_wait3A_17] : memref<96000x1024xf32, #tpu.memory_space<hbm>> -> memref<96000x1024xf32, #tpu.memory_space<hbm>>
    tpu.wait_indirect_dma semaphore(%arg7 : memref<!tpu.dma_semaphore, #tpu.memory_space<semaphore_mem>>) src(%dma_wait3A_18 : memref<96000x1024xf32, #tpu.memory_space<hbm>>) dst(%arg6 : memref<64x1024xf32, #tpu.memory_space<vmem>>)
    "tpu.region"() ({
      %run_scoped3A = tpu.sem_alloc : memref<!tpu.dma_semaphore, #tpu.memory_space<semaphore_mem>>
      %dma_start3A_29 = arith.constant 0 : i32
      %dma_start3A_30 = tpu.memref_slice %arg4[%add3A_12, %dma_start3A_29] : memref<6144x1024xf32, #tpu.memory_space<hbm>> -> memref<64x1024xf32, #tpu.memory_space<hbm>>
      %dma_start3A_31 = arith.constant 0 : i32
      %dma_start3A_32 = tpu.memref_slice %arg4[%add3A_12, %dma_start3A_31] : memref<6144x1024xf32, #tpu.memory_space<hbm>> -> memref<64x1024xf32, #tpu.memory_space<hbm>>
      tpu.enqueue_dma source(%arg6 : memref<64x1024xf32, #tpu.memory_space<vmem>>) target(%dma_start3A_32 : memref<64x1024xf32, #tpu.memory_space<hbm>>) target_semaphore(%run_scoped3A : memref<!tpu.dma_semaphore, #tpu.memory_space<semaphore_mem>>)
      %dma_wait3A_33 = arith.constant 0 : i32
      %dma_wait3A_34 = tpu.memref_slice %arg4[%add3A_12, %dma_wait3A_33] : memref<6144x1024xf32, #tpu.memory_space<hbm>> -> memref<64x1024xf32, #tpu.memory_space<hbm>>
      %dma_wait3A_35 = arith.constant 0 : i32
      %dma_wait3A_36 = tpu.memref_slice %arg4[%add3A_12, %dma_wait3A_35] : memref<6144x1024xf32, #tpu.memory_space<hbm>> -> memref<64x1024xf32, #tpu.memory_space<hbm>>
      tpu.wait_dma2 semaphore(%run_scoped3A : memref<!tpu.dma_semaphore, #tpu.memory_space<semaphore_mem>>) src(%arg6 : memref<64x1024xf32, #tpu.memory_space<vmem>>) dst(%dma_wait3A_36 : memref<64x1024xf32, #tpu.memory_space<hbm>>)
      tpu.yield
    }) : () -> ()
    %mul3A_19 = arith.constant 64 : i32
    %mul3A_20 = arith.muli %add3A, %mul3A_19 : i32
    %add3A_21 = arith.constant 4096 : i32
    %add3A_22 = arith.addi %add3A_21, %mul3A_20 : i32
    "tpu.region"() ({
      %run_scoped3A = tpu.sem_alloc : memref<!tpu.dma_semaphore, #tpu.memory_space<semaphore_mem>>
      %dma_start3A_29 = tpu.memref_slice %arg3[%add3A_22] : memref<6144xi32, #tpu.memory_space<hbm>> -> memref<64xi32, #tpu.memory_space<hbm>>
      %dma_start3A_30 = tpu.memref_slice %arg3[%add3A_22] : memref<6144xi32, #tpu.memory_space<hbm>> -> memref<64xi32, #tpu.memory_space<hbm>>
      tpu.enqueue_dma source(%dma_start3A_30 : memref<64xi32, #tpu.memory_space<hbm>>) target(%arg5 : memref<64xi32, #tpu.memory_space<vmem>>) target_semaphore(%run_scoped3A : memref<!tpu.dma_semaphore, #tpu.memory_space<semaphore_mem>>)
      %dma_wait3A_31 = tpu.memref_slice %arg3[%add3A_22] : memref<6144xi32, #tpu.memory_space<hbm>> -> memref<64xi32, #tpu.memory_space<hbm>>
      %dma_wait3A_32 = tpu.memref_slice %arg3[%add3A_22] : memref<6144xi32, #tpu.memory_space<hbm>> -> memref<64xi32, #tpu.memory_space<hbm>>
      tpu.wait_dma2 semaphore(%run_scoped3A : memref<!tpu.dma_semaphore, #tpu.memory_space<semaphore_mem>>) src(%dma_wait3A_32 : memref<64xi32, #tpu.memory_space<hbm>>) dst(%arg5 : memref<64xi32, #tpu.memory_space<vmem>>)
      tpu.yield
    }) : () -> ()
    %dma_start3A_23 = arith.constant 0 : i32
    %dma_start3A_24 = arith.constant 0 : i32
    %dma_start3A_25 = tpu.memref_slice %arg2[%dma_start3A_23, %dma_start3A_24] : memref<96000x1024xf32, #tpu.memory_space<hbm>> -> memref<96000x1024xf32, #tpu.memory_space<hbm>>
    tpu.enqueue_indirect_dma source(%dma_start3A_25 : memref<96000x1024xf32, #tpu.memory_space<hbm>>) target(%arg6 : memref<64x1024xf32, #tpu.memory_space<vmem>>) offsets(%arg5 : memref<64xi32, #tpu.memory_space<vmem>>) semaphore(%arg7 : memref<!tpu.dma_semaphore, #tpu.memory_space<semaphore_mem>>)
    %dma_wait3A_26 = arith.constant 0 : i32
    %dma_wait3A_27 = arith.constant 0 : i32
    %dma_wait3A_28 = tpu.memref_slice %arg2[%dma_wait3A_26, %dma_wait3A_27] : memref<96000x1024xf32, #tpu.memory_space<hbm>> -> memref<96000x1024xf32, #tpu.memory_space<hbm>>
    tpu.wait_indirect_dma semaphore(%arg7 : memref<!tpu.dma_semaphore, #tpu.memory_space<semaphore_mem>>) src(%dma_wait3A_28 : memref<96000x1024xf32, #tpu.memory_space<hbm>>) dst(%arg6 : memref<64x1024xf32, #tpu.memory_space<vmem>>)
    "tpu.region"() ({
      %run_scoped3A = tpu.sem_alloc : memref<!tpu.dma_semaphore, #tpu.memory_space<semaphore_mem>>
      %dma_start3A_29 = arith.constant 0 : i32
      %dma_start3A_30 = tpu.memref_slice %arg4[%add3A_22, %dma_start3A_29] : memref<6144x1024xf32, #tpu.memory_space<hbm>> -> memref<64x1024xf32, #tpu.memory_space<hbm>>
      %dma_start3A_31 = arith.constant 0 : i32
      %dma_start3A_32 = tpu.memref_slice %arg4[%add3A_22, %dma_start3A_31] : memref<6144x1024xf32, #tpu.memory_space<hbm>> -> memref<64x1024xf32, #tpu.memory_space<hbm>>
      tpu.enqueue_dma source(%arg6 : memref<64x1024xf32, #tpu.memory_space<vmem>>) target(%dma_start3A_32 : memref<64x1024xf32, #tpu.memory_space<hbm>>) target_semaphore(%run_scoped3A : memref<!tpu.dma_semaphore, #tpu.memory_space<semaphore_mem>>)
      %dma_wait3A_33 = arith.constant 0 : i32
      %dma_wait3A_34 = tpu.memref_slice %arg4[%add3A_22, %dma_wait3A_33] : memref<6144x1024xf32, #tpu.memory_space<hbm>> -> memref<64x1024xf32, #tpu.memory_space<hbm>>
      %dma_wait3A_35 = arith.constant 0 : i32
      %dma_wait3A_36 = tpu.memref_slice %arg4[%add3A_22, %dma_wait3A_35] : memref<6144x1024xf32, #tpu.memory_space<hbm>> -> memref<64x1024xf32, #tpu.memory_space<hbm>>
      tpu.wait_dma2 semaphore(%run_scoped3A : memref<!tpu.dma_semaphore, #tpu.memory_space<semaphore_mem>>) src(%arg6 : memref<64x1024xf32, #tpu.memory_space<vmem>>) dst(%dma_wait3A_36 : memref<64x1024xf32, #tpu.memory_space<hbm>>)
      tpu.yield
    }) : () -> ()
    return
  }
}

module attributes {stable_mosaic.version = 14 : i64} {
  func.func @_chain_kernel(%arg0: i32, %arg1: memref<512x1024xf32, #tpu.memory_space<vmem>>, %arg2: memref<3x512x1024xf32, #tpu.memory_space<vmem>>, %arg3: memref<2x1024x1024xf32, #tpu.memory_space<vmem>>, %arg4: memref<3x1024xf32, #tpu.memory_space<vmem>>, %arg5: memref<3x1024xf32, #tpu.memory_space<vmem>>, %arg6: memref<3x512x1024xbf16, #tpu.memory_space<vmem>>, %arg7: memref<2x1024x1024xbf16, #tpu.memory_space<vmem>>) attributes {dimension_semantics = [#tpu.dimension_semantics<arbitrary>], iteration_bounds = array<i64: 4>, scalar_prefetch = 0 : i64, scratch_operands = 1 : i64, tpu.core_type = #tpu.core_type<tc>, window_params = [{transform_indices = @transform_0, window_bounds = array<i64: 512, 1024>}, {transform_indices = @transform_1, window_bounds = array<i64: 3, 512, 1024>}, {pipeline_mode = #tpu.pipeline_mode<synchronous>, transform_indices = @transform_2, window_bounds = array<i64: 2, 1024, 1024>}, {pipeline_mode = #tpu.pipeline_mode<synchronous>, transform_indices = @transform_3, window_bounds = array<i64: 3, 1024>}, {pipeline_mode = #tpu.pipeline_mode<synchronous>, transform_indices = @transform_4, window_bounds = array<i64: 3, 1024>}, {transform_indices = @transform_5, window_bounds = array<i64: 3, 512, 1024>}]} {
    %eq3A = arith.constant 0 : i32
    %eq3A_0 = arith.cmpi eq, %arg0, %eq3A : i32
    %convert_element_type3A = arith.extui %eq3A_0 : i1 to i32
    %cond3A = arith.constant 0 : i32
    %cond3A_1 = arith.cmpi ne, %convert_element_type3A, %cond3A : i32
    scf.if %cond3A_1 {
      %get3A_173 = arith.constant 0 : index
      %get3A_174 = arith.constant 0 : index
      %get3A_175 = arith.constant 0 : index
      %get3A_176 = vector.load %arg3[%get3A_173, %get3A_174, %get3A_175] : memref<2x1024x1024xf32, #tpu.memory_space<vmem>>, vector<2x1024x1024xf32>
      %convert_element_type3A_177 = arith.truncf %get3A_176 : vector<2x1024x1024xf32> to vector<2x1024x1024xbf16>
      %swap3A_178 = arith.constant 0 : index
      %swap3A_179 = arith.constant 0 : index
      %swap3A_180 = arith.constant 0 : index
      %swap3A_181 = vector.load %arg7[%swap3A_178, %swap3A_179, %swap3A_180] : memref<2x1024x1024xbf16, #tpu.memory_space<vmem>>, vector<2x1024x1024xbf16>
      tpu.vector_store %arg7[%swap3A_178, %swap3A_179, %swap3A_180], %convert_element_type3A_177 {strides = array<i32>} : memref<2x1024x1024xbf16, #tpu.memory_space<vmem>>, vector<2x1024x1024xbf16>,
    } else {
    }
    %get3A = arith.constant 0 : index
    %get3A_2 = arith.constant 0 : index
    %get3A_3 = vector.load %arg1[%get3A, %get3A_2] : memref<512x1024xf32, #tpu.memory_space<vmem>>, vector<512x1024xf32>
    %get3A_4 = arith.constant 0 : index
    %get3A_5 = arith.constant 0 : index
    %get3A_6 = arith.constant 0 : index
    %get3A_7 = vector.load %arg2[%get3A_4, %get3A_5, %get3A_6] : memref<3x512x1024xf32, #tpu.memory_space<vmem>>, vector<1x512x1024xf32>
    %get3A_8 = vector.shape_cast %get3A_7 : vector<1x512x1024xf32> to vector<512x1024xf32>
    %mul3A = arith.constant 11.5360126 : f32
    %mul3A_9 = vector.broadcast %mul3A : f32 to vector<512x1024xf32>
    %mul3A_10 = arith.mulf %mul3A_9, %get3A_8 : vector<512x1024xf32>
    %add3A = arith.addf %get3A_3, %mul3A_10 : vector<512x1024xf32>
    %mul3A_11 = arith.mulf %add3A, %add3A : vector<512x1024xf32>
    %reduce_sum3A = arith.constant dense<0.000000e+00> : vector<512xf32>
    %reduce_sum3A_12 = vector.multi_reduction <add>, %mul3A_11, %reduce_sum3A [1] : vector<512x1024xf32> to vector<512xf32>
    %broadcast_in_dim3A = vector.shape_cast %reduce_sum3A_12 : vector<512xf32> to vector<512x1xf32>
    %div3A = arith.constant 1.024000e+03 : f32
    %div3A_13 = vector.broadcast %div3A : f32 to vector<512x1xf32>
    %div3A_14 = arith.divf %broadcast_in_dim3A, %div3A_13 : vector<512x1xf32>
    %add3A_15 = arith.constant 9.99999997E-7 : f32
    %add3A_16 = vector.broadcast %add3A_15 : f32 to vector<512x1xf32>
    %add3A_17 = arith.addf %div3A_14, %add3A_16 : vector<512x1xf32>
    %rsqrt3A = math.rsqrt %add3A_17 : vector<512x1xf32>
    %mul3A_18 = vector.broadcast %rsqrt3A : vector<512x1xf32> to vector<512x1024xf32>
    %mul3A_19 = arith.mulf %add3A, %mul3A_18 : vector<512x1024xf32>
    %get3A_20 = arith.constant 0 : index
    %get3A_21 = arith.constant 0 : index
    %get3A_22 = vector.load %arg4[%get3A_20, %get3A_21] : memref<3x1024xf32, #tpu.memory_space<vmem>>, vector<1x1024xf32>
    %get3A_23 = vector.shape_cast %get3A_22 : vector<1x1024xf32> to vector<1024xf32>
    %broadcast_in_dim3A_24 = vector.shape_cast %get3A_23 : vector<1024xf32> to vector<1x1024xf32>
    %mul3A_25 = vector.broadcast %broadcast_in_dim3A_24 : vector<1x1024xf32> to vector<512x1024xf32>
    %mul3A_26 = arith.mulf %mul3A_19, %mul3A_25 : vector<512x1024xf32>
    %get3A_27 = arith.constant 0 : index
    %get3A_28 = arith.constant 0 : index
    %get3A_29 = vector.load %arg5[%get3A_27, %get3A_28] : memref<3x1024xf32, #tpu.memory_space<vmem>>, vector<1x1024xf32>
    %get3A_30 = vector.shape_cast %get3A_29 : vector<1x1024xf32> to vector<1024xf32>
    %broadcast_in_dim3A_31 = vector.shape_cast %get3A_30 : vector<1024xf32> to vector<1x1024xf32>
    %add3A_32 = vector.broadcast %broadcast_in_dim3A_31 : vector<1x1024xf32> to vector<512x1024xf32>
    %add3A_33 = arith.addf %mul3A_26, %add3A_32 : vector<512x1024xf32>
    %mul3A_34 = arith.constant 5.000000e-01 : f32
    %mul3A_35 = vector.broadcast %mul3A_34 : f32 to vector<512x1024xf32>
    %mul3A_36 = arith.mulf %add3A_33, %mul3A_35 : vector<512x1024xf32>
    %mul3A_37 = arith.constant 0.707106769 : f32
    %mul3A_38 = vector.broadcast %mul3A_37 : f32 to vector<512x1024xf32>
    %mul3A_39 = arith.mulf %add3A_33, %mul3A_38 : vector<512x1024xf32>
    %erf3A = math.erf %mul3A_39 : vector<512x1024xf32>
    %add3A_40 = arith.constant 1.000000e+00 : f32
    %add3A_41 = vector.broadcast %add3A_40 : f32 to vector<512x1024xf32>
    %add3A_42 = arith.addf %add3A_41, %erf3A : vector<512x1024xf32>
    %mul3A_43 = arith.mulf %mul3A_36, %add3A_42 : vector<512x1024xf32>
    %convert_element_type3A_44 = arith.truncf %mul3A_43 : vector<512x1024xf32> to vector<512x1024xbf16>
    %swap3A = arith.constant 0 : index
    %swap3A_45 = arith.constant 0 : index
    %swap3A_46 = arith.constant 0 : index
    %swap3A_47 = vector.load %arg6[%swap3A, %swap3A_45, %swap3A_46] : memref<3x512x1024xbf16, #tpu.memory_space<vmem>>, vector<1x512x1024xbf16>
    %swap3A_48 = vector.shape_cast %swap3A_47 : vector<1x512x1024xbf16> to vector<512x1024xbf16>
    %swap3A_49 = vector.shape_cast %convert_element_type3A_44 : vector<512x1024xbf16> to vector<1x512x1024xbf16>
    tpu.vector_store %arg6[%swap3A, %swap3A_45, %swap3A_46], %swap3A_49 {strides = array<i32>} : memref<3x512x1024xbf16, #tpu.memory_space<vmem>>, vector<1x512x1024xbf16>,
    %convert_element_type3A_50 = arith.truncf %mul3A_43 : vector<512x1024xf32> to vector<512x1024xbf16>
    %get3A_51 = arith.constant 0 : index
    %get3A_52 = arith.constant 0 : index
    %get3A_53 = arith.constant 0 : index
    %get3A_54 = vector.load %arg7[%get3A_51, %get3A_52, %get3A_53] : memref<2x1024x1024xbf16, #tpu.memory_space<vmem>>, vector<1x1024x1024xbf16>
    %get3A_55 = vector.shape_cast %get3A_54 : vector<1x1024x1024xbf16> to vector<1024x1024xbf16>
    %dot_general3A = arith.constant dense<0.000000e+00> : vector<512x1024xf32>
    %dot_general3A_56 = tpu.matmul %convert_element_type3A_50, %get3A_55, %dot_general3A {dimension_numbers = #tpu.dot_dimension_numbers<[1], [1], [0], [0], [0, 0, 1, 0], [], []>, transpose_lhs_hint = false} : vector<512x1024xbf16>, vector<1024x1024xbf16>, vector<512x1024xf32> -> vector<512x1024xf32>
    %get3A_57 = arith.constant 1 : index
    %get3A_58 = arith.constant 0 : index
    %get3A_59 = arith.constant 0 : index
    %get3A_60 = vector.load %arg2[%get3A_57, %get3A_58, %get3A_59] : memref<3x512x1024xf32, #tpu.memory_space<vmem>>, vector<1x512x1024xf32>
    %get3A_61 = vector.shape_cast %get3A_60 : vector<1x512x1024xf32> to vector<512x1024xf32>
    %mul3A_62 = arith.constant 11.5360126 : f32
    %mul3A_63 = vector.broadcast %mul3A_62 : f32 to vector<512x1024xf32>
    %mul3A_64 = arith.mulf %mul3A_63, %get3A_61 : vector<512x1024xf32>
    %add3A_65 = arith.addf %dot_general3A_56, %mul3A_64 : vector<512x1024xf32>
    %mul3A_66 = arith.mulf %add3A_65, %add3A_65 : vector<512x1024xf32>
    %reduce_sum3A_67 = arith.constant dense<0.000000e+00> : vector<512xf32>
    %reduce_sum3A_68 = vector.multi_reduction <add>, %mul3A_66, %reduce_sum3A_67 [1] : vector<512x1024xf32> to vector<512xf32>
    %broadcast_in_dim3A_69 = vector.shape_cast %reduce_sum3A_68 : vector<512xf32> to vector<512x1xf32>
    %div3A_70 = arith.constant 1.024000e+03 : f32
    %div3A_71 = vector.broadcast %div3A_70 : f32 to vector<512x1xf32>
    %div3A_72 = arith.divf %broadcast_in_dim3A_69, %div3A_71 : vector<512x1xf32>
    %add3A_73 = arith.constant 9.99999997E-7 : f32
    %add3A_74 = vector.broadcast %add3A_73 : f32 to vector<512x1xf32>
    %add3A_75 = arith.addf %div3A_72, %add3A_74 : vector<512x1xf32>
    %rsqrt3A_76 = math.rsqrt %add3A_75 : vector<512x1xf32>
    %mul3A_77 = vector.broadcast %rsqrt3A_76 : vector<512x1xf32> to vector<512x1024xf32>
    %mul3A_78 = arith.mulf %add3A_65, %mul3A_77 : vector<512x1024xf32>
    %get3A_79 = arith.constant 1 : index
    %get3A_80 = arith.constant 0 : index
    %get3A_81 = vector.load %arg4[%get3A_79, %get3A_80] : memref<3x1024xf32, #tpu.memory_space<vmem>>, vector<1x1024xf32>
    %get3A_82 = vector.shape_cast %get3A_81 : vector<1x1024xf32> to vector<1024xf32>
    %broadcast_in_dim3A_83 = vector.shape_cast %get3A_82 : vector<1024xf32> to vector<1x1024xf32>
    %mul3A_84 = vector.broadcast %broadcast_in_dim3A_83 : vector<1x1024xf32> to vector<512x1024xf32>
    %mul3A_85 = arith.mulf %mul3A_78, %mul3A_84 : vector<512x1024xf32>
    %get3A_86 = arith.constant 1 : index
    %get3A_87 = arith.constant 0 : index
    %get3A_88 = vector.load %arg5[%get3A_86, %get3A_87] : memref<3x1024xf32, #tpu.memory_space<vmem>>, vector<1x1024xf32>
    %get3A_89 = vector.shape_cast %get3A_88 : vector<1x1024xf32> to vector<1024xf32>
    %broadcast_in_dim3A_90 = vector.shape_cast %get3A_89 : vector<1024xf32> to vector<1x1024xf32>
    %add3A_91 = vector.broadcast %broadcast_in_dim3A_90 : vector<1x1024xf32> to vector<512x1024xf32>
    %add3A_92 = arith.addf %mul3A_85, %add3A_91 : vector<512x1024xf32>
    %mul3A_93 = arith.constant 5.000000e-01 : f32
    %mul3A_94 = vector.broadcast %mul3A_93 : f32 to vector<512x1024xf32>
    %mul3A_95 = arith.mulf %add3A_92, %mul3A_94 : vector<512x1024xf32>
    %mul3A_96 = arith.constant 0.707106769 : f32
    %mul3A_97 = vector.broadcast %mul3A_96 : f32 to vector<512x1024xf32>
    %mul3A_98 = arith.mulf %add3A_92, %mul3A_97 : vector<512x1024xf32>
    %erf3A_99 = math.erf %mul3A_98 : vector<512x1024xf32>
    %add3A_100 = arith.constant 1.000000e+00 : f32
    %add3A_101 = vector.broadcast %add3A_100 : f32 to vector<512x1024xf32>
    %add3A_102 = arith.addf %add3A_101, %erf3A_99 : vector<512x1024xf32>
    %mul3A_103 = arith.mulf %mul3A_95, %add3A_102 : vector<512x1024xf32>
    %convert_element_type3A_104 = arith.truncf %mul3A_103 : vector<512x1024xf32> to vector<512x1024xbf16>
    %swap3A_105 = arith.constant 1 : index
    %swap3A_106 = arith.constant 0 : index
    %swap3A_107 = arith.constant 0 : index
    %swap3A_108 = vector.load %arg6[%swap3A_105, %swap3A_106, %swap3A_107] : memref<3x512x1024xbf16, #tpu.memory_space<vmem>>, vector<1x512x1024xbf16>
    %swap3A_109 = vector.shape_cast %swap3A_108 : vector<1x512x1024xbf16> to vector<512x1024xbf16>
    %swap3A_110 = vector.shape_cast %convert_element_type3A_104 : vector<512x1024xbf16> to vector<1x512x1024xbf16>
    tpu.vector_store %arg6[%swap3A_105, %swap3A_106, %swap3A_107], %swap3A_110 {strides = array<i32>} : memref<3x512x1024xbf16, #tpu.memory_space<vmem>>, vector<1x512x1024xbf16>,
    %convert_element_type3A_111 = arith.truncf %mul3A_103 : vector<512x1024xf32> to vector<512x1024xbf16>
    %get3A_112 = arith.constant 1 : index
    %get3A_113 = arith.constant 0 : index
    %get3A_114 = arith.constant 0 : index
    %get3A_115 = vector.load %arg7[%get3A_112, %get3A_113, %get3A_114] : memref<2x1024x1024xbf16, #tpu.memory_space<vmem>>, vector<1x1024x1024xbf16>
    %get3A_116 = vector.shape_cast %get3A_115 : vector<1x1024x1024xbf16> to vector<1024x1024xbf16>
    %dot_general3A_117 = arith.constant dense<0.000000e+00> : vector<512x1024xf32>
    %dot_general3A_118 = tpu.matmul %convert_element_type3A_111, %get3A_116, %dot_general3A_117 {dimension_numbers = #tpu.dot_dimension_numbers<[1], [1], [0], [0], [0, 0, 1, 0], [], []>, transpose_lhs_hint = false} : vector<512x1024xbf16>, vector<1024x1024xbf16>, vector<512x1024xf32> -> vector<512x1024xf32>
    %get3A_119 = arith.constant 2 : index
    %get3A_120 = arith.constant 0 : index
    %get3A_121 = arith.constant 0 : index
    %get3A_122 = vector.load %arg2[%get3A_119, %get3A_120, %get3A_121] : memref<3x512x1024xf32, #tpu.memory_space<vmem>>, vector<1x512x1024xf32>
    %get3A_123 = vector.shape_cast %get3A_122 : vector<1x512x1024xf32> to vector<512x1024xf32>
    %mul3A_124 = arith.constant 11.5360126 : f32
    %mul3A_125 = vector.broadcast %mul3A_124 : f32 to vector<512x1024xf32>
    %mul3A_126 = arith.mulf %mul3A_125, %get3A_123 : vector<512x1024xf32>
    %add3A_127 = arith.addf %dot_general3A_118, %mul3A_126 : vector<512x1024xf32>
    %mul3A_128 = arith.mulf %add3A_127, %add3A_127 : vector<512x1024xf32>
    %reduce_sum3A_129 = arith.constant dense<0.000000e+00> : vector<512xf32>
    %reduce_sum3A_130 = vector.multi_reduction <add>, %mul3A_128, %reduce_sum3A_129 [1] : vector<512x1024xf32> to vector<512xf32>
    %broadcast_in_dim3A_131 = vector.shape_cast %reduce_sum3A_130 : vector<512xf32> to vector<512x1xf32>
    %div3A_132 = arith.constant 1.024000e+03 : f32
    %div3A_133 = vector.broadcast %div3A_132 : f32 to vector<512x1xf32>
    %div3A_134 = arith.divf %broadcast_in_dim3A_131, %div3A_133 : vector<512x1xf32>
    %add3A_135 = arith.constant 9.99999997E-7 : f32
    %add3A_136 = vector.broadcast %add3A_135 : f32 to vector<512x1xf32>
    %add3A_137 = arith.addf %div3A_134, %add3A_136 : vector<512x1xf32>
    %rsqrt3A_138 = math.rsqrt %add3A_137 : vector<512x1xf32>
    %mul3A_139 = vector.broadcast %rsqrt3A_138 : vector<512x1xf32> to vector<512x1024xf32>
    %mul3A_140 = arith.mulf %add3A_127, %mul3A_139 : vector<512x1024xf32>
    %get3A_141 = arith.constant 2 : index
    %get3A_142 = arith.constant 0 : index
    %get3A_143 = vector.load %arg4[%get3A_141, %get3A_142] : memref<3x1024xf32, #tpu.memory_space<vmem>>, vector<1x1024xf32>
    %get3A_144 = vector.shape_cast %get3A_143 : vector<1x1024xf32> to vector<1024xf32>
    %broadcast_in_dim3A_145 = vector.shape_cast %get3A_144 : vector<1024xf32> to vector<1x1024xf32>
    %mul3A_146 = vector.broadcast %broadcast_in_dim3A_145 : vector<1x1024xf32> to vector<512x1024xf32>
    %mul3A_147 = arith.mulf %mul3A_140, %mul3A_146 : vector<512x1024xf32>
    %get3A_148 = arith.constant 2 : index
    %get3A_149 = arith.constant 0 : index
    %get3A_150 = vector.load %arg5[%get3A_148, %get3A_149] : memref<3x1024xf32, #tpu.memory_space<vmem>>, vector<1x1024xf32>
    %get3A_151 = vector.shape_cast %get3A_150 : vector<1x1024xf32> to vector<1024xf32>
    %broadcast_in_dim3A_152 = vector.shape_cast %get3A_151 : vector<1024xf32> to vector<1x1024xf32>
    %add3A_153 = vector.broadcast %broadcast_in_dim3A_152 : vector<1x1024xf32> to vector<512x1024xf32>
    %add3A_154 = arith.addf %mul3A_147, %add3A_153 : vector<512x1024xf32>
    %mul3A_155 = arith.constant 5.000000e-01 : f32
    %mul3A_156 = vector.broadcast %mul3A_155 : f32 to vector<512x1024xf32>
    %mul3A_157 = arith.mulf %add3A_154, %mul3A_156 : vector<512x1024xf32>
    %mul3A_158 = arith.constant 0.707106769 : f32
    %mul3A_159 = vector.broadcast %mul3A_158 : f32 to vector<512x1024xf32>
    %mul3A_160 = arith.mulf %add3A_154, %mul3A_159 : vector<512x1024xf32>
    %erf3A_161 = math.erf %mul3A_160 : vector<512x1024xf32>
    %add3A_162 = arith.constant 1.000000e+00 : f32
    %add3A_163 = vector.broadcast %add3A_162 : f32 to vector<512x1024xf32>
    %add3A_164 = arith.addf %add3A_163, %erf3A_161 : vector<512x1024xf32>
    %mul3A_165 = arith.mulf %mul3A_157, %add3A_164 : vector<512x1024xf32>
    %convert_element_type3A_166 = arith.truncf %mul3A_165 : vector<512x1024xf32> to vector<512x1024xbf16>
    %swap3A_167 = arith.constant 2 : index
    %swap3A_168 = arith.constant 0 : index
    %swap3A_169 = arith.constant 0 : index
    %swap3A_170 = vector.load %arg6[%swap3A_167, %swap3A_168, %swap3A_169] : memref<3x512x1024xbf16, #tpu.memory_space<vmem>>, vector<1x512x1024xbf16>
    %swap3A_171 = vector.shape_cast %swap3A_170 : vector<1x512x1024xbf16> to vector<512x1024xbf16>
    %swap3A_172 = vector.shape_cast %convert_element_type3A_166 : vector<512x1024xbf16> to vector<1x512x1024xbf16>
    tpu.vector_store %arg6[%swap3A_167, %swap3A_168, %swap3A_169], %swap3A_172 {strides = array<i32>} : memref<3x512x1024xbf16, #tpu.memory_space<vmem>>, vector<1x512x1024xbf16>,
    return
  }
  func.func @transform_0(%arg0: i32) -> (i32, i32) {
    %c0_i32 = arith.constant 0 : i32
    %c0_i32_0 = arith.constant 0 : i32
    return %arg0, %c0_i32 : i32, i32
  }
  func.func @transform_1(%arg0: i32) -> (i32, i32, i32) {
    %c0_i32 = arith.constant 0 : i32
    %c0_i32_0 = arith.constant 0 : i32
    %c0_i32_1 = arith.constant 0 : i32
    return %c0_i32, %arg0, %c0_i32_0 : i32, i32, i32
  }
  func.func @transform_2(%arg0: i32) -> (i32, i32, i32) {
    %c0_i32 = arith.constant 0 : i32
    %c0_i32_0 = arith.constant 0 : i32
    %c0_i32_1 = arith.constant 0 : i32
    %c0_i32_2 = arith.constant 0 : i32
    return %c0_i32, %c0_i32_0, %c0_i32_1 : i32, i32, i32
  }
  func.func @transform_3(%arg0: i32) -> (i32, i32) {
    %c0_i32 = arith.constant 0 : i32
    %c0_i32_0 = arith.constant 0 : i32
    %c0_i32_1 = arith.constant 0 : i32
    return %c0_i32, %c0_i32_0 : i32, i32
  }
  func.func @transform_4(%arg0: i32) -> (i32, i32) {
    %c0_i32 = arith.constant 0 : i32
    %c0_i32_0 = arith.constant 0 : i32
    %c0_i32_1 = arith.constant 0 : i32
    return %c0_i32, %c0_i32_0 : i32, i32
  }
  func.func @transform_5(%arg0: i32) -> (i32, i32, i32) {
    %c0_i32 = arith.constant 0 : i32
    %c0_i32_0 = arith.constant 0 : i32
    %c0_i32_1 = arith.constant 0 : i32
    return %c0_i32, %arg0, %c0_i32_0 : i32, i32, i32
  }
}

module attributes {stable_mosaic.version = 14 : i64} {
  func.func @_proj0_kernel(%arg0: i32, %arg1: memref<1x512x4096xf32, #tpu.memory_space<vmem>>, %arg2: memref<1024x4096xf32, #tpu.memory_space<vmem>>, %arg3: memref<512x1024xf32, #tpu.memory_space<vmem>>, %arg4: memref<1024x4096xbf16, #tpu.memory_space<vmem>>) attributes {dimension_semantics = [#tpu.dimension_semantics<arbitrary>], iteration_bounds = array<i64: 4>, scalar_prefetch = 0 : i64, scratch_operands = 1 : i64, tpu.core_type = #tpu.core_type<tc>, window_params = [{transform_indices = @transform_0, window_bounds = array<i64: 1, 512, 4096>}, {pipeline_mode = #tpu.pipeline_mode<synchronous>, transform_indices = @transform_1, window_bounds = array<i64: 1024, 4096>}, {transform_indices = @transform_2, window_bounds = array<i64: 512, 1024>}]} {
    %eq3A = arith.constant 0 : i32
    %eq3A_0 = arith.cmpi eq, %arg0, %eq3A : i32
    %convert_element_type3A = arith.extui %eq3A_0 : i1 to i32
    %cond3A = arith.constant 0 : i32
    %cond3A_1 = arith.cmpi ne, %convert_element_type3A, %cond3A : i32
    scf.if %cond3A_1 {
      %get3A_23 = arith.constant 0 : index
      %get3A_24 = arith.constant 0 : index
      %get3A_25 = vector.load %arg2[%get3A_23, %get3A_24] : memref<1024x4096xf32, #tpu.memory_space<vmem>>, vector<1024x4096xf32>
      %convert_element_type3A_26 = arith.truncf %get3A_25 : vector<1024x4096xf32> to vector<1024x4096xbf16>
      %swap3A_27 = arith.constant 0 : index
      %swap3A_28 = arith.constant 0 : index
      %swap3A_29 = vector.load %arg4[%swap3A_27, %swap3A_28] : memref<1024x4096xbf16, #tpu.memory_space<vmem>>, vector<1024x4096xbf16>
      tpu.vector_store %arg4[%swap3A_27, %swap3A_28], %convert_element_type3A_26 {strides = array<i32>} : memref<1024x4096xbf16, #tpu.memory_space<vmem>>, vector<1024x4096xbf16>,
    } else {
    }
    %get3A = arith.constant 0 : index
    %get3A_2 = arith.constant 0 : index
    %get3A_3 = arith.constant 0 : index
    %get3A_4 = vector.load %arg1[%get3A, %get3A_2, %get3A_3] : memref<1x512x4096xf32, #tpu.memory_space<vmem>>, vector<1x512x4096xf32>
    %get3A_5 = vector.shape_cast %get3A_4 : vector<1x512x4096xf32> to vector<512x4096xf32>
    %mul3A = arith.mulf %get3A_5, %get3A_5 : vector<512x4096xf32>
    %reduce_sum3A = arith.constant dense<0.000000e+00> : vector<512xf32>
    %reduce_sum3A_6 = vector.multi_reduction <add>, %mul3A, %reduce_sum3A [1] : vector<512x4096xf32> to vector<512xf32>
    %broadcast_in_dim3A = vector.shape_cast %reduce_sum3A_6 : vector<512xf32> to vector<512x1xf32>
    %div3A = arith.constant 4.096000e+03 : f32
    %div3A_7 = vector.broadcast %div3A : f32 to vector<512x1xf32>
    %div3A_8 = arith.divf %broadcast_in_dim3A, %div3A_7 : vector<512x1xf32>
    %add3A = arith.constant 9.99999997E-7 : f32
    %add3A_9 = vector.broadcast %add3A : f32 to vector<512x1xf32>
    %add3A_10 = arith.addf %div3A_8, %add3A_9 : vector<512x1xf32>
    %rsqrt3A = math.rsqrt %add3A_10 : vector<512x1xf32>
    %mul3A_11 = vector.broadcast %rsqrt3A : vector<512x1xf32> to vector<512x4096xf32>
    %mul3A_12 = arith.mulf %get3A_5, %mul3A_11 : vector<512x4096xf32>
    %mul3A_13 = arith.constant 0.707106769 : f32
    %mul3A_14 = vector.broadcast %mul3A_13 : f32 to vector<512x4096xf32>
    %mul3A_15 = arith.mulf %mul3A_12, %mul3A_14 : vector<512x4096xf32>
    %convert_element_type3A_16 = arith.truncf %mul3A_15 : vector<512x4096xf32> to vector<512x4096xbf16>
    %get3A_17 = arith.constant 0 : index
    %get3A_18 = arith.constant 0 : index
    %get3A_19 = vector.load %arg4[%get3A_17, %get3A_18] : memref<1024x4096xbf16, #tpu.memory_space<vmem>>, vector<1024x4096xbf16>
    %dot_general3A = arith.constant dense<0.000000e+00> : vector<512x1024xf32>
    %dot_general3A_20 = tpu.matmul %convert_element_type3A_16, %get3A_19, %dot_general3A {dimension_numbers = #tpu.dot_dimension_numbers<[1], [1], [0], [0], [0, 0, 1, 0], [], []>, transpose_lhs_hint = false} : vector<512x4096xbf16>, vector<1024x4096xbf16>, vector<512x1024xf32> -> vector<512x1024xf32>
    %swap3A = arith.constant 0 : index
    %swap3A_21 = arith.constant 0 : index
    %swap3A_22 = vector.load %arg3[%swap3A, %swap3A_21] : memref<512x1024xf32, #tpu.memory_space<vmem>>, vector<512x1024xf32>
    tpu.vector_store %arg3[%swap3A, %swap3A_21], %dot_general3A_20 {strides = array<i32>} : memref<512x1024xf32, #tpu.memory_space<vmem>>, vector<512x1024xf32>,
    return
  }
  func.func @transform_0(%arg0: i32) -> (i32, i32, i32) {
    %c0_i32 = arith.constant 0 : i32
    %c0_i32_0 = arith.constant 0 : i32
    %c0_i32_1 = arith.constant 0 : i32
    return %c0_i32, %arg0, %c0_i32_0 : i32, i32, i32
  }
  func.func @transform_1(%arg0: i32) -> (i32, i32) {
    %c0_i32 = arith.constant 0 : i32
    %c0_i32_0 = arith.constant 0 : i32
    %c0_i32_1 = arith.constant 0 : i32
    return %c0_i32, %c0_i32_0 : i32, i32
  }
  func.func @transform_2(%arg0: i32) -> (i32, i32) {
    %c0_i32 = arith.constant 0 : i32
    %c0_i32_0 = arith.constant 0 : i32
    return %arg0, %c0_i32 : i32, i32
  }
}

module attributes {stable_mosaic.version = 14 : i64} {
  func.func @_logits_kernel(%arg0: i32, %arg1: i32, %arg2: memref<1x2048x1024xbf16, #tpu.memory_space<vmem>>, %arg3: memref<1x1280x1024xf32, #tpu.memory_space<vmem>>, %arg4: memref<1x1x2048x1280xf32, #tpu.memory_space<vmem>>) attributes {dimension_semantics = [#tpu.dimension_semantics<arbitrary>, #tpu.dimension_semantics<arbitrary>], iteration_bounds = array<i64: 3, 25>, scalar_prefetch = 0 : i64, scratch_operands = 0 : i64, tpu.core_type = #tpu.core_type<tc>, window_params = [{transform_indices = @transform_0, window_bounds = array<i64: 1, 2048, 1024>}, {transform_indices = @transform_1, window_bounds = array<i64: 1, 1280, 1024>}, {transform_indices = @transform_2, window_bounds = array<i64: 1, 1, 2048, 1280>}]} {
    %get3A = arith.constant 0 : index
    %get3A_0 = arith.constant 0 : index
    %get3A_1 = arith.constant 0 : index
    %get3A_2 = vector.load %arg2[%get3A, %get3A_0, %get3A_1] : memref<1x2048x1024xbf16, #tpu.memory_space<vmem>>, vector<1x2048x1024xbf16>
    %get3A_3 = vector.shape_cast %get3A_2 : vector<1x2048x1024xbf16> to vector<2048x1024xbf16>
    %get3A_4 = arith.constant 0 : index
    %get3A_5 = arith.constant 0 : index
    %get3A_6 = arith.constant 0 : index
    %get3A_7 = vector.load %arg3[%get3A_4, %get3A_5, %get3A_6] : memref<1x1280x1024xf32, #tpu.memory_space<vmem>>, vector<1x1280x1024xf32>
    %get3A_8 = vector.shape_cast %get3A_7 : vector<1x1280x1024xf32> to vector<1280x1024xf32>
    %convert_element_type3A = arith.truncf %get3A_8 : vector<1280x1024xf32> to vector<1280x1024xbf16>
    %dot_general3A = arith.constant dense<0.000000e+00> : vector<2048x1280xf32>
    %dot_general3A_9 = tpu.matmul %get3A_3, %convert_element_type3A, %dot_general3A {dimension_numbers = #tpu.dot_dimension_numbers<[1], [1], [0], [0], [0, 0, 1, 0], [], []>, transpose_lhs_hint = false} : vector<2048x1024xbf16>, vector<1280x1024xbf16>, vector<2048x1280xf32> -> vector<2048x1280xf32>
    %swap3A = arith.constant 0 : index
    %swap3A_10 = arith.constant 0 : index
    %swap3A_11 = arith.constant 0 : index
    %swap3A_12 = arith.constant 0 : index
    %swap3A_13 = vector.load %arg4[%swap3A, %swap3A_10, %swap3A_11, %swap3A_12] : memref<1x1x2048x1280xf32, #tpu.memory_space<vmem>>, vector<1x1x2048x1280xf32>
    %swap3A_14 = vector.shape_cast %swap3A_13 : vector<1x1x2048x1280xf32> to vector<2048x1280xf32>
    %swap3A_15 = vector.shape_cast %dot_general3A_9 : vector<2048x1280xf32> to vector<1x1x2048x1280xf32>
    tpu.vector_store %arg4[%swap3A, %swap3A_10, %swap3A_11, %swap3A_12], %swap3A_15 {strides = array<i32>} : memref<1x1x2048x1280xf32, #tpu.memory_space<vmem>>, vector<1x1x2048x1280xf32>,
    return
  }
  func.func @transform_0(%arg0: i32, %arg1: i32) -> (i32, i32, i32) {
    %c0_i32 = arith.constant 0 : i32
    %c0_i32_0 = arith.constant 0 : i32
    %c0_i32_1 = arith.constant 0 : i32
    return %arg0, %c0_i32, %c0_i32_0 : i32, i32, i32
  }
  func.func @transform_1(%arg0: i32, %arg1: i32) -> (i32, i32, i32) {
    %c0_i32 = arith.constant 0 : i32
    %c0_i32_0 = arith.constant 0 : i32
    return %arg0, %arg1, %c0_i32 : i32, i32, i32
  }
  func.func @transform_2(%arg0: i32, %arg1: i32) -> (i32, i32, i32, i32) {
    %c0_i32 = arith.constant 0 : i32
    %c0_i32_0 = arith.constant 0 : i32
    %c0_i32_1 = arith.constant 0 : i32
    return %arg0, %c0_i32, %c0_i32_0, %arg1 : i32, i32, i32, i32
  }
}

</mosaic_0001>

<sc_bundles>
// kernel: kernel.6.cloned.1.call-start
scs
__scs_entry_jumppad:
0x0: {  	(pc) =	sbr.rel $0x88, $3  }
0x1: {  	(tag) =	ssettag $0x0;
	lr =	simm.s32 $0x1  }
0x2: {  	[smem:$0x3F99] =	sst lr;
	_ =	strace $0xD0000000  }
0x3: {  	_ = 	snop  }
0x4: {  	_ = 	snop  }
0x5: {  	_ = 	snop  }
0x6: {  	_ = 	snop  }
0x7: {  	_ = 	snop  }
__scs_overlays_trampoline_lowered:
0x8: {  	[smem:$0x3FA8] =	sst s0  }
0x9: {  	[smem:$0x3FA9] =	sst s1  }
0xa: {  	[smem:$0x3FAA] =	sst s2  }
0xb: {  	[smem:$0x3FAB] =	sst s3  }
0xc: {  	[smem:$0x3FAC] =	sst s4  }
0xd: {  	[smem:$0x3FAD] =	sst s5  }
0xe: {  	[smem:$0x3FAE] =	sst s6  }
0xf: {  	[smem:$0x3FAF] =	sst s7  }
0x10: {  	[smem:$0x3FB0] =	sst s8  }
0x11: {  	[smem:$0x3FB1] =	sst s9;
	s0 =	simm.s32 @!p0 $0x0  }
0x12: {  	s1 =	sld [smem:$0x3F97];
	s0 =	simm.s32 @p0 $0x1  }
0x13: {  	[smem:$0x3FB2] =	sst s0;
	s0 =	simm.s32 @!p1 $0x0  }
0x14: {  	s2 =	sld [smem:$0x3F96];
	s0 =	simm.s32 @p1 $0x1  }
0x15: {  	[smem:$0x3FB3] =	sst s0;
	s0 =	simm.s32 @!p2 $0x0  }
0x16: {  	s3 =	sld [smem:$0x3FDB];
	s0 =	simm.s32 @p2 $0x1  }
0x17: {  	s4 =	simm.s32 $0x1BF5;
	[smem:$0x3FB5] =	sst s0  }
0x18: {  	s0 =	sld [smem:$0x3F98];
	_ =	swait.ge [sflag:s4], $0x0  }
0x19: {  	s7 =	sld [smem:$0x3F99]  }
0x1a: {  	s8 =	sadd.s32 $0xFFFFE003, lr  }
0x1b: {  	s9 =	sadd.s32 $0xFFFFFEF7, lr;
	s5 =	simm.s32 $0xFFFFFFFF;
	p2 =	slt.u32 s8, $0xFFFFF086  }
0x1c: {  	p1 =	slt.u32 s9, $0xF7A;
	s5 =	simm.s32 @!p2 $0x0  }
0x1d: {  	s5 =	simm.s32 @p1 $0x1;
	p0 =	seq.s32 s7, s2  }
0x1e: {  	s7 =	smul.u32 @!p0 $0xF7A, s2;
	p2 =	seq.s32 @!p0 s5, $0x0  }
0x1f: {  	s9 =	smul.u32 $0xF7A, s1;
	s8 =	simm.s32 @!p0 $0x1BF5;
	p2 =	por !p2, p0  }
0x20: {  	[sflag:s8] =	ssyncset.s32 @!p0 $0xFFFFF086;
	s6 =	sadd.s32 @!p0 s3, s7;
	s7 =	simm.s32 @!p0 $0x108  }
0x21: {  	s3 =	sadd.s32 s3, s9;
	s6 =	sadd.s32 @!p0 $0x88, s6;
	s7 =	simm.s32 @p2 $0x1082  }
0x22: {  	[simem:s7], [sflag:s8] =	dma.local @!p0 [hbm:s6], $0xF7A  }
0x23: {  	s9 =	sor.u32 $0xD0000000, s2;
	s6 =	simm.s32 $0x108;
	_ =	swait.ge @!p0 [sflag:s8], $0x0  }
0x24: {  	s3 =	sadd.s32 $0x88, s3;
	s6 =	simm.s32 @!p1 $0x1082;
	[sflag:s4] =	ssyncset.s32 $0xFFFFF086  }
0x25: {  	[simem:s6], [sflag:s4] =	dma.local [hbm:s3], $0xF7A  }
0x26: {  	[smem:$0x3F99] =	sst s1;
	(tag) =	ssettag s2;
	_ =	strace s9  }
0x27: {  	s1 =	sld [smem:$0x3FA9]  }
0x28: {  	s2 =	sld [smem:$0x3FAA]  }
0x29: {  	s4 =	sld [smem:$0x3FAC]  }
0x2a: {  	p0 =	seq.s32 s5, $0x0;
	s5 =	sld [smem:$0x3FAD]  }
0x2b: {  	s6 =	sld [smem:$0x3FAE]  }
0x2c: {  	s7 =	sld [smem:$0x3FAF]  }
0x2d: {  	s3 =	simm.s32 $0x108;
	s8 =	sld [smem:$0x3FB0]  }
0x2e: {  	s3 =	simm.s32 @!p0 $0x1082;
	s9 =	sld [smem:$0x3FB1]  }
0x2f: {  	lr =	sadd.s32 s0, s3;
	s0 =	sld [smem:$0x3FA8]  }
0x30: {  	s3 =	sld [smem:$0x3FAB]  }
0x31: {  	[smem:$0x3FB4] =	sst s10  }
0x32: {  	s10 =	sld [smem:$0x3FB2];
	_ =	sdelay $0x3  }
0x33: {  	p0 =	seq.s32 s10, $0x1;
	s10 =	sld [smem:$0x3FB4];
	_ =	sdelay $0x3  }
0x34: {  	[smem:$0x3FB4] =	sst s10  }
0x35: {  	s10 =	sld [smem:$0x3FB3];
	_ =	sdelay $0x3  }
0x36: {  	p1 =	seq.s32 s10, $0x1;
	s10 =	sld [smem:$0x3FB4];
	_ =	sdelay $0x3  }
0x37: {  	[smem:$0x3FB4] =	sst s10  }
0x38: {  	s10 =	sld [smem:$0x3FB5]  }
0x39: {  	_ = 	snop;
	(pc) =	sbr.ind lr, $3  }
0x3a: {  	_ = 	snop  }
0x3b: {  	_ = 	snop  }
0x3c: {  	p2 =	seq.s32 s10, $0x1;
	s10 =	sld [smem:$0x3FB4]  }
0x3d: {  	_ =	shalt  }
0x3e: {  	_ =	shalt  }
0x3f: {  	_ =	shalt  }
0x40: {  	_ =	shalt  }
0x41: {  	_ =	shalt  }
0x42: {  	_ =	shalt  }
0x43: {  	_ =	shalt  }
0x44: {  	_ =	shalt  }
0x45: {  	_ =	shalt  }
0x46: {  	_ =	shalt  }
0x47: {  	_ =	shalt  }
0x48: {  	_ =	shalt  }
0x49: {  	_ =	shalt  }
0x4a: {  	_ =	shalt  }
0x4b: {  	_ =	shalt  }
0x4c: {  	_ =	shalt  }
0x4d: {  	_ =	shalt  }
0x4e: {  	_ =	shalt  }
0x4f: {  	_ =	shalt  }
0x50: {  	_ =	shalt  }
0x51: {  	_ =	shalt  }
0x52: {  	_ =	shalt  }
0x53: {  	_ =	shalt  }
0x54: {  	_ =	shalt  }
0x55: {  	_ =	shalt  }
0x56: {  	_ =	shalt  }
0x57: {  	_ =	shalt  }
0x58: {  	_ =	shalt  }
0x59: {  	_ =	shalt  }
0x5a: {  	_ =	shalt  }
0x5b: {  	_ =	shalt  }
0x5c: {  	_ =	shalt  }
0x5d: {  	_ =	shalt  }
0x5e: {  	_ =	shalt  }
0x5f: {  	_ =	shalt  }
0x60: {  	_ =	shalt  }
0x61: {  	_ =	shalt  }
0x62: {  	_ =	shalt  }
0x63: {  	_ =	shalt  }
0x64: {  	_ =	shalt  }
0x65: {  	_ =	shalt  }
0x66: {  	_ =	shalt  }
0x67: {  	_ =	shalt  }
0x68: {  	_ =	shalt  }
0x69: {  	_ =	shalt  }
0x6a: {  	_ =	shalt  }
0x6b: {  	_ =	shalt  }
0x6c: {  	_ =	shalt  }
0x6d: {  	_ =	shalt  }
0x6e: {  	_ =	shalt  }
0x6f: {  	_ =	shalt  }
0x70: {  	_ =	shalt  }
0x71: {  	_ =	shalt  }
0x72: {  	_ =	shalt  }
0x73: {  	_ =	shalt  }
0x74: {  	_ =	shalt  }
0x75: {  	_ =	shalt  }
0x76: {  	_ =	shalt  }
0x77: {  	_ =	shalt  }
0x78: {  	_ =	shalt  }
0x79: {  	_ =	shalt  }
0x7a: {  	_ =	shalt  }
0x7b: {  	_ =	shalt  }
0x7c: {  	_ =	shalt  }
0x7d: {  	_ =	shalt  }
0x7e: {  	_ =	shalt  }
0x7f: {  	_ =	shalt  }
0x80: {  	_ =	shalt  }
0x81: {  	_ =	shalt  }
0x82: {  	_ =	shalt  }
0x83: {  	_ =	shalt  }
0x84: {  	_ =	shalt  }
0x85: {  	_ =	shalt  }
0x86: {  	_ =	shalt  }
0x87: {  	_ =	shalt  }
.Lfunc_end0:
.L_simem_size_0:
called_computation_lowered:
.L_overlay_start_0:
0x88: {  	s2 =	sld [smem:$0x3FD9]  }
0x89: {  	s3 =	sld [smem:$0x3FFE];
	_ =	sdelay $0x1  }
0x8a: {  	s1 =	srdreg.scid  }
0x8b: {  	s0 =	sand.u32 $0x1, s1  }
0x8c: {  	s17 =	sshll.u32 s0, $0xA;
	s2 =	sadd.s32 s3, s2  }
0x8d: {  	s2 =	sadd.s32 s2, s17  }
0x8e: {  	[smem:$0x3FC0] =	sst s2  }
0x8f: {  	_ = 	snop  }
0x90: {  	s2 =	sld [smem:$0x3FC7]  }
0x91: {  	s18 =	sld [smem:$0x3FD0];
	(tm) =	ssettm $0x1  }
0x92: {  	s4 =	sld [smem:$0x3FFB];
	_ =	sdelay $0x3  }
0x93: {  	_ =	strace s4  }
0x94: {  	s4 =	sld [smem:$0x3FFC];
	_ =	sdelay $0x3  }
0x95: {  	_ =	strace s4  }
0x96: {  	s4 =	sld [smem:$0x3FFD];
	_ =	sdelay $0x3  }
0x97: {  	_ =	strace s4  }
0x98: {  	_ =	strace $0x8FFFFFFF  }
0x99: {  	s19 =	sld [smem:$0x3FDB];
	_ =	sdelay $0x1  }
0x9a: {  	s5 =	simm.s32 $_scs_section_size  }
0x9b: {  	s6 =	simm.s32 $_size__tile_overlayer_lowered;
	s7 =	simm.s32 $_tile_overlayer_lowered  }
0x9c: {  	s22 =	simm.s32 $0x1BFF;
	s21 =	sshll.u32 s7, $0x1;
	s4 =	sadd.s32 s5, s19  }
0x9d: {  	s8 =	simm.s32 $0x0;
	s20 =	sshll.u32 s6, $0x1;
	s6 =	sadd.s32 s21, s4  }
0x9e: {  	[timem:s8], [sflag:s22] =	dma.local [hbm:s6], s20  }
0x9f: {  	_ =	swait.ge [sflag:s22], s20  }
0xa0: {  	s5 =	ssub.s32 $0x0, s20;
	[sflag:s22] =	ssyncset.done $0x0  }
0xa1: {  	[sflag:s22] =	ssyncadd.s32 s5;
	_ =	sdelay $0x1  }
0xa2: {  	s23 =	simm.s32 $0x1B8B  }
0xa3: {  	_ =	swait.ge [sflag:s23], $0x1  }
0xa4: {  	[sflag:s23] =	ssyncset.done $0x0  }
0xa5: {  	s25 =	simm.s32 $0x1B8E;
	s24 =	sld [smem:$0x3FFE];
	[sflag:s23] =	ssyncadd.s32 $0xFFFFFFFF  }
0xa6: {  	s26 =	simm.s32 $execute0_lowered;
	[smem:$0x3FD2] =	sst s25  }
0xa7: {  	s6 =	sshll.u32 s26, $0x1;
	_ =	strace $0x80000046;
	[dreg:$0x1] =	wrdreg $0xFFFFFFFF  }
0xa8: {  	s28 =	simm.s32 $_size_execute0_lowered;
	s4 =	sadd.s32 s4, s6;
	[dreg:$0x0] =	wrdreg $0x0  }
0xa9: {  	s6 =	sshll.u32 s28, $0x1;
	[dreg:$0x2] =	wrdreg s4  }
0xaa: {  	[dreg:$0x3] =	wrdreg s6  }
0xab: {  	[dreg:$0x4] =	wrdreg $0xC0  }
0xac: {  	_ =	task [dreg:s8], $0x5FFFF  }
0xad: {  	[dreg:$0x1] =	wrdreg $0xFFFFFFFF  }
0xae: {  	[dreg:$0x0] =	wrdreg $0x60  }
0xaf: {  	[dreg:$0x2] =	wrdreg s2  }
0xb0: {  	[dreg:$0x3] =	wrdreg s24  }
0xb1: {  	[dreg:$0x4] =	wrdreg s18  }
0xb2: {  	[dreg:$0x5] =	wrdreg $0x9  }
0xb3: {  	_ =	task.clear_ibuf [dreg:s8], $0x6FFFF;
	_ =	strace $0x90000046  }
0xb4: {  	s29 =	simm.s32 $0x9;
	_ =	strace $0x80000048  }
0xb5: {  	_ =	swait.ge [sflag:s29], $0x1  }
0xb6: {  	[sflag:s29] =	ssyncadd.s32 $0xFFFFFFFF  }
0xb7: {  	_ =	strace $0x90000048  }
0xb8: {  	_ =	sfence  }
0xb9: {  	s30 =	sld [smem:$0x0];
	_ =	sdelay $0x2  }
0xba: {  	s31 =	sshll.u32 s1, $0xD;
	s1 =	sshrl.u32 s1, $0x2  }
0xbb: {  	s3 =	sand.u32 $0x4000, s31;
	s1 =	sadd.s32 s1, s30  }
0xbc: {  	s0 =	sor.u32 s3, s0;
	s1 =	sshll.u32 s1, $0x11  }
0xbd: {  	s0 =	sor.u32 s1, s0  }
0xbe: {  	s0 =	sadd.s32 $0x8F2B, s0  }
0xbf: {  	[sflag:s0] =	ssyncadd.remote.s32 $0x1  }
0xc0: {  	_ =	sfence.sel $0xFFFF  }
0xc1: {  	[dreg:$0x0] =	wrdreg $0xFFFFFFFF;
	(pc) =	sbr.abs _section_cstart, $3  }
0xc2: {  	[dreg:$0x1] =	wrdreg $0xFFFFFFFF  }
0xc3: {  	_ =	task.clear_ibuf [dreg:s8], $0x2FFFF;
	_ =	strace $0x9FFFFFFF  }
0xc4: {  	(tm) =	ssettm $0x7FFFFFFF  }
0xc5: {  	_ =	shalt  }
tec
execute0_lowered:
.L_overlay_start_1:
0x0: {  	(tag) =	ssettag $0x1  }
0x1: {  	s1 =	rddreg [dreg:$0x0]  }
0x2: {  	s0 =	rddreg [dreg:$0x1]  }
0x3: {  	s2 =	rddreg [dreg:$0x2]  }
0x4: {  	s3 =	srdreg.scid;
	s5 =	stileid.u32;
	s18 =	simm.s32 $0x1  }
0x5: {  	s20 =	simm.s32 $0x880;
	s28 =	simm.s32 $0x4080;
	s29 =	simm.s32 $0x4880  }
0x6: {  	s30 =	simm.s32 $0x5080;
	s31 =	simm.s32 $0x5880;
	s10 =	simm.s32 $0x7080  }
0x7: {  	s11 =	simm.s32 $0x7880;
	s12 =	simm.s32 $0x8080;
	s13 =	simm.s32 $0x8880  }
0x8: {  	s14 =	simm.s32 $0x9080;
	s15 =	simm.s32 $0x9880;
	s16 =	simm.s32 $0xA080  }
0x9: {  	s17 =	simm.s32 $0xA880;
	s4 =	sand.u32 $0x1, s3;
	s3 =	simm.s32 $0x0  }
0xa: {  	s5 =	sshll.u32 s5, $0x7;
	s0 =	sadd.s32 $0x600, s0;
	s6 =	sshll.u32 s4, $0x6  }
0xb: {  	[smem:$0x7FF] =	sst s3;
	s4 =	ssub.s32 $0x2, s4;
	s6 =	sor.u32 s6, s5  }
0xc: {  	_ =	strace $0x80000047;
	s7 =	sshrl.u32 s4, $0x1;
	s5 =	sshrl.u32 s6, $0x3  }
0xd: {  	s7 =	ssub.s32 s4, s7;
	s21 =	sshll.u32 s6, $0x7;
	s4 =	sadd.s32 $0x100, s1  }
0xe: {  	s9 =	sor.u32 $0x800, s6;
	s6 =	sor.u32 $0x1000, s6;
	s5 =	sadd.s32 s0, s5  }
0xf: {  	s8 =	sadd.s32 s2, s21;
	s22 =	sshrl.u32 s9, $0x3;
	s9 =	sshll.u32 s9, $0x7  }
0x10: {  	s24 =	sshrl.u32 s6, $0x3;
	s25 =	sshll.u32 s6, $0x7;
	s6 =	sadd.s32 $0x300, s1  }
0x11: {  	s7 =	smax.u32 s7, $0x1;
	s21 =	simm.s32 $0x1080;
	[dreg:$0x4] =	wrdreg s5  }
0x12: {  	s5 =	sadd.s32 $0x200, s1;
	[dreg:$0x5] =	wrdreg s8;
	s8 =	sadd.s32 s0, s22  }
0x13: {  	s23 =	sadd.s32 s2, s9;
	s0 =	sadd.s32 s0, s24;
	[dreg:$0x6] =	wrdreg s8  }
0x14: {  	s26 =	sadd.s32 s2, s25;
	s22 =	simm.s32 $0x1880;
	[dreg:$0x7] =	wrdreg s23  }
0x15: {  	v2 =	vlaneseq.u32;
	s24 =	simm.s32 $0x2880;
	s25 =	simm.s32 $0x3080;
	[dreg:$0x8] =	wrdreg s0  }
0x16: {  	vm0 =	vmmov $0xffff;
	v1 =	vshrl.u32 v2, $0x3;
	s9 =	simm.s32 $0xB080;
	[dreg:$0x9] =	wrdreg s26;
	s8 =	simm.s32 $0x2  }
0x17: {  	v0 =	vand.u32 $0x7, v2;
	v2 =	vor.u32 $0x8, v2;
	v1 =	vmul.u32 $0x8, v1;
	s0 =	simm.s32 $0x80;
	s23 =	simm.s32 $0x2080;
	s26 =	simm.s32 $0x3880  }
.LBB2_1:
0x18: {  	s19 =	rddreg [dreg:$0x4]  }
0x19: {  	[tilespmem:s3], [sflag:$0x2] =	stream.linear.gather [hbm4b:s19+s3], $0x40, $0x38;
	[tilespmem:$0x10080] =	vst v63  }
0x1a: {  	_ =	swait.ge [sflag:s8], $0x40  }
0x1b: {  	[sflag:s8] =	ssyncset.done $0x0  }
0x1c: {  	[sflag:s8] =	ssyncadd.s32 $0xFFFFFFC0  }
0x1d: {  	v3 =	vld [tilespmem:$0x0];
	_ =	sdelay $0x4  }
0x1e: {  	v4 =	vshll.u32 v3, $0x3  }
0x1f: {  	v3 =	vand.u32 $0x7, v3;
	v4 =	vand.u32 $0xFFFFFFC0, v4  }
0x20: {  	v3 =	vor.u32 v3, v4  }
0x21: {  	v4 =	vperm.xlane v3, v0;
	_ =	sdelay $0x1  }
0x22: {  	v4 =	vadd.s32 v1, v4;
	_ =	sdelay $0x4  }
0x23: {  	[tilespmem:s0], [sflag:$0x1] =	stream.indirect_vreg.gather [hbm4b:s1+s3], $0x80, v4, vm0, $0xb8;
	[tilespmem:$0x10080] =	vst v63  }
0x24: {  	v3 =	vperm.xlane v3, v2  }
0x25: {  	[tilespmem:s20], [sflag:$0x1] =	stream.indirect_vreg.gather [hbm4b:s4+s3], $0x80, v4, vm0, $0xb8;
	[tilespmem:$0x10080] =	vst v63  }
0x26: {  	v3 =	vadd.s32 v1, v3  }
0x27: {  	[tilespmem:s21], [sflag:$0x1] =	stream.indirect_vreg.gather [hbm4b:s5+s3], $0x80, v4, vm0, $0xb8;
	[tilespmem:$0x10080] =	vst v63  }
0x28: {  	_ = 	snop  }
0x29: {  	[tilespmem:s22], [sflag:$0x1] =	stream.indirect_vreg.gather [hbm4b:s6+s3], $0x80, v4, vm0, $0xb8;
	[tilespmem:$0x10080] =	vst v63  }
0x2a: {  	_ = 	snop  }
0x2b: {  	[tilespmem:s23], [sflag:$0x1] =	stream.indirect_vreg.gather [hbm4b:s1+s3], $0x80, v3, vm0, $0xb8;
	[tilespmem:$0x10080] =	vst v63  }
0x2c: {  	_ = 	snop  }
0x2d: {  	[tilespmem:s24], [sflag:$0x1] =	stream.indirect_vreg.gather [hbm4b:s4+s3], $0x80, v3, vm0, $0xb8;
	[tilespmem:$0x10080] =	vst v63  }
0x2e: {  	_ = 	snop  }
0x2f: {  	[tilespmem:s25], [sflag:$0x1] =	stream.indirect_vreg.gather [hbm4b:s5+s3], $0x80, v3, vm0, $0xb8;
	[tilespmem:$0x10080] =	vst v63  }
0x30: {  	_ = 	snop  }
0x31: {  	[tilespmem:s26], [sflag:$0x1] =	stream.indirect_vreg.gather [hbm4b:s6+s3], $0x80, v3, vm0, $0xb8;
	[tilespmem:$0x10080] =	vst v63  }
0x32: {  	v3 =	vld [tilespmem:$0x10];
	_ =	sdelay $0x4  }
0x33: {  	v53 =	vshll.u32 v3, $0x3  }
0x34: {  	v3 =	vand.u32 $0x7, v3;
	v4 =	vand.u32 $0xFFFFFFC0, v53  }
0x35: {  	v3 =	vor.u32 v3, v4  }
0x36: {  	v4 =	vperm.xlane v3, v0;
	_ =	sdelay $0x1  }
0x37: {  	v4 =	vadd.s32 v1, v4;
	_ =	sdelay $0x4  }
0x38: {  	[tilespmem:s28], [sflag:$0x1] =	stream.indirect_vreg.gather [hbm4b:s1+s3], $0x80, v4, vm0, $0xb8;
	[tilespmem:$0x10080] =	vst v63  }
0x39: {  	v3 =	vperm.xlane v3, v2  }
0x3a: {  	[tilespmem:s29], [sflag:$0x1] =	stream.indirect_vreg.gather [hbm4b:s4+s3], $0x80, v4, vm0, $0xb8;
	[tilespmem:$0x10080] =	vst v63  }
0x3b: {  	v3 =	vadd.s32 v1, v3  }
0x3c: {  	[tilespmem:s30], [sflag:$0x1] =	stream.indirect_vreg.gather [hbm4b:s5+s3], $0x80, v4, vm0, $0xb8;
	[tilespmem:$0x10080] =	vst v63  }
0x3d: {  	_ = 	snop  }
0x3e: {  	[tilespmem:s31], [sflag:$0x1] =	stream.indirect_vreg.gather [hbm4b:s6+s3], $0x80, v4, vm0, $0xb8;
	[tilespmem:$0x10080] =	vst v63  }
0x3f: {  	s2 =	simm.s32 $0x6080  }
0x40: {  	[tilespmem:s2], [sflag:$0x1] =	stream.indirect_vreg.gather [hbm4b:s1+s3], $0x80, v3, vm0, $0xb8;
	[tilespmem:$0x10080] =	vst v63  }
0x41: {  	s2 =	simm.s32 $0x6880  }
0x42: {  	[tilespmem:s2], [sflag:$0x1] =	stream.indirect_vreg.gather [hbm4b:s4+s3], $0x80, v3, vm0, $0xb8;
	[tilespmem:$0x10080] =	vst v63  }
0x43: {  	_ = 	snop  }
0x44: {  	[tilespmem:s10], [sflag:$0x1] =	stream.indirect_vreg.gather [hbm4b:s5+s3], $0x80, v3, vm0, $0xb8;
	[tilespmem:$0x10080] =	vst v63  }
0x45: {  	_ = 	snop  }
0x46: {  	[tilespmem:s11], [sflag:$0x1] =	stream.indirect_vreg.gather [hbm4b:s6+s3], $0x80, v3, vm0, $0xb8;
	[tilespmem:$0x10080] =	vst v63  }
0x47: {  	v3 =	vld [tilespmem:$0x20];
	_ =	sdelay $0x4  }
0x48: {  	v54 =	vshll.u32 v3, $0x3  }
0x49: {  	v3 =	vand.u32 $0x7, v3;
	v4 =	vand.u32 $0xFFFFFFC0, v54  }
0x4a: {  	v3 =	vor.u32 v3, v4  }
0x4b: {  	v4 =	vperm.xlane v3, v0;
	_ =	sdelay $0x1  }
0x4c: {  	v4 =	vadd.s32 v1, v4;
	_ =	sdelay $0x4  }
0x4d: {  	[tilespmem:s12], [sflag:$0x1] =	stream.indirect_vreg.gather [hbm4b:s1+s3], $0x80, v4, vm0, $0xb8;
	[tilespmem:$0x10080] =	vst v63  }
0x4e: {  	v3 =	vperm.xlane v3, v2  }
0x4f: {  	[tilespmem:s13], [sflag:$0x1] =	stream.indirect_vreg.gather [hbm4b:s4+s3], $0x80, v4, vm0, $0xb8;
	[tilespmem:$0x10080] =	vst v63  }
0x50: {  	v3 =	vadd.s32 v1, v3  }
0x51: {  	[tilespmem:s14], [sflag:$0x1] =	stream.indirect_vreg.gather [hbm4b:s5+s3], $0x80, v4, vm0, $0xb8;
	[tilespmem:$0x10080] =	vst v63  }
0x52: {  	_ = 	snop  }
0x53: {  	[tilespmem:s15], [sflag:$0x1] =	stream.indirect_vreg.gather [hbm4b:s6+s3], $0x80, v4, vm0, $0xb8;
	[tilespmem:$0x10080] =	vst v63  }
0x54: {  	_ = 	snop  }
0x55: {  	[tilespmem:s16], [sflag:$0x1] =	stream.indirect_vreg.gather [hbm4b:s1+s3], $0x80, v3, vm0, $0xb8;
	[tilespmem:$0x10080] =	vst v63  }
0x56: {  	_ = 	snop  }
0x57: {  	[tilespmem:s17], [sflag:$0x1] =	stream.indirect_vreg.gather [hbm4b:s4+s3], $0x80, v3, vm0, $0xb8;
	[tilespmem:$0x10080] =	vst v63  }
0x58: {  	_ = 	snop  }
0x59: {  	[tilespmem:s9], [sflag:$0x1] =	stream.indirect_vreg.gather [hbm4b:s5+s3], $0x80, v3, vm0, $0xb8;
	[tilespmem:$0x10080] =	vst v63  }
0x5a: {  	s19 =	simm.s32 $0xB880  }
0x5b: {  	[tilespmem:s19], [sflag:$0x1] =	stream.indirect_vreg.gather [hbm4b:s6+s3], $0x80, v3, vm0, $0xb8;
	[tilespmem:$0x10080] =	vst v63  }
0x5c: {  	v3 =	vld [tilespmem:$0x30];
	_ =	sdelay $0x4  }
0x5d: {  	v55 =	vshll.u32 v3, $0x3  }
0x5e: {  	v3 =	vand.u32 $0x7, v3;
	v4 =	vand.u32 $0xFFFFFFC0, v55  }
0x5f: {  	v3 =	vor.u32 v3, v4  }
0x60: {  	v4 =	vperm.xlane v3, v0;
	_ =	sdelay $0x1  }
0x61: {  	v4 =	vadd.s32 v1, v4;
	_ =	sdelay $0x3  }
0x62: {  	s19 =	simm.s32 $0xC080  }
0x63: {  	[tilespmem:s19], [sflag:$0x1] =	stream.indirect_vreg.gather [hbm4b:s1+s3], $0x80, v4, vm0, $0xb8;
	[tilespmem:$0x10080] =	vst v63  }
0x64: {  	v3 =	vperm.xlane v3, v2;
	s19 =	simm.s32 $0xC880  }
0x65: {  	[tilespmem:s19], [sflag:$0x1] =	stream.indirect_vreg.gather [hbm4b:s4+s3], $0x80, v4, vm0, $0xb8;
	[tilespmem:$0x10080] =	vst v63  }
0x66: {  	v3 =	vadd.s32 v1, v3;
	s19 =	simm.s32 $0xD080  }
0x67: {  	[tilespmem:s19], [sflag:$0x1] =	stream.indirect_vreg.gather [hbm4b:s5+s3], $0x80, v4, vm0, $0xb8;
	[tilespmem:$0x10080] =	vst v63  }
0x68: {  	s19 =	simm.s32 $0xD880  }
0x69: {  	[tilespmem:s19], [sflag:$0x1] =	stream.indirect_vreg.gather [hbm4b:s6+s3], $0x80, v4, vm0, $0xb8;
	[tilespmem:$0x10080] =	vst v63  }
0x6a: {  	s19 =	simm.s32 $0xE080  }
0x6b: {  	[tilespmem:s19], [sflag:$0x1] =	stream.indirect_vreg.gather [hbm4b:s1+s3], $0x80, v3, vm0, $0xb8;
	[tilespmem:$0x10080] =	vst v63  }
0x6c: {  	s19 =	simm.s32 $0xE880  }
0x6d: {  	[tilespmem:s19], [sflag:$0x1] =	stream.indirect_vreg.gather [hbm4b:s4+s3], $0x80, v3, vm0, $0xb8;
	[tilespmem:$0x10080] =	vst v63  }
0x6e: {  	s19 =	simm.s32 $0xF080  }
0x6f: {  	[tilespmem:s19], [sflag:$0x1] =	stream.indirect_vreg.gather [hbm4b:s5+s3], $0x80, v3, vm0, $0xb8;
	[tilespmem:$0x10080] =	vst v63  }
0x70: {  	s19 =	simm.s32 $0xF880  }
0x71: {  	[tilespmem:s19], [sflag:$0x1] =	stream.indirect_vreg.gather [hbm4b:s6+s3], $0x80, v3, vm0, $0xb8;
	[tilespmem:$0x10080] =	vst v63  }
0x72: {  	_ =	swait.ge [sflag:s18], $0x10000  }
0x73: {  	[sflag:s18] =	ssyncset.done $0x0  }
0x74: {  	s19 =	rddreg [dreg:$0x5];
	[sflag:s18] =	ssyncadd.s32 $0xFFFF0000  }
0x75: {  	[hbm4b:s19+s3] =	stream.linear.scatter [tilespmem:s0], [sflag:$0x2], $0x10000, $0x38;
	[tilespmem:$0x10080] =	vst v63  }
0x76: {  	_ =	swait.ge [sflag:s8], $0x10000  }
0x77: {  	[sflag:s8] =	ssyncset.done $0x0  }
0x78: {  	s19 =	rddreg [dreg:$0x6];
	[sflag:s8] =	ssyncadd.s32 $0xFFFF0000  }
0x79: {  	[tilespmem:s3], [sflag:$0x2] =	stream.linear.gather [hbm4b:s19+s3], $0x40, $0x38;
	[tilespmem:$0x10080] =	vst v63  }
0x7a: {  	_ =	swait.ge [sflag:s8], $0x40  }
0x7b: {  	[sflag:s8] =	ssyncset.done $0x0  }
0x7c: {  	[sflag:s8] =	ssyncadd.s32 $0xFFFFFFC0  }
0x7d: {  	v3 =	vld [tilespmem:$0x0];
	_ =	sdelay $0x4  }
0x7e: {  	v56 =	vshll.u32 v3, $0x3  }
0x7f: {  	v3 =	vand.u32 $0x7, v3;
	v4 =	vand.u32 $0xFFFFFFC0, v56  }
0x80: {  	v3 =	vor.u32 v3, v4  }
0x81: {  	v4 =	vperm.xlane v3, v0;
	_ =	sdelay $0x1  }
0x82: {  	v4 =	vadd.s32 v1, v4;
	_ =	sdelay $0x4  }
0x83: {  	[tilespmem:s0], [sflag:$0x1] =	stream.indirect_vreg.gather [hbm4b:s1+s3], $0x80, v4, vm0, $0xb8;
	[tilespmem:$0x10080] =	vst v63  }
0x84: {  	v3 =	vperm.xlane v3, v2  }
0x85: {  	[tilespmem:s20], [sflag:$0x1] =	stream.indirect_vreg.gather [hbm4b:s4+s3], $0x80, v4, vm0, $0xb8;
	[tilespmem:$0x10080] =	vst v63  }
0x86: {  	v3 =	vadd.s32 v1, v3  }
0x87: {  	[tilespmem:s21], [sflag:$0x1] =	stream.indirect_vreg.gather [hbm4b:s5+s3], $0x80, v4, vm0, $0xb8;
	[tilespmem:$0x10080] =	vst v63  }
0x88: {  	_ = 	snop  }
0x89: {  	[tilespmem:s22], [sflag:$0x1] =	stream.indirect_vreg.gather [hbm4b:s6+s3], $0x80, v4, vm0, $0xb8;
	[tilespmem:$0x10080] =	vst v63  }
0x8a: {  	_ = 	snop  }
0x8b: {  	[tilespmem:s23], [sflag:$0x1] =	stream.indirect_vreg.gather [hbm4b:s1+s3], $0x80, v3, vm0, $0xb8;
	[tilespmem:$0x10080] =	vst v63  }
0x8c: {  	_ = 	snop  }
0x8d: {  	[tilespmem:s24], [sflag:$0x1] =	stream.indirect_vreg.gather [hbm4b:s4+s3], $0x80, v3, vm0, $0xb8;
	[tilespmem:$0x10080] =	vst v63  }
0x8e: {  	_ = 	snop  }
0x8f: {  	[tilespmem:s25], [sflag:$0x1] =	stream.indirect_vreg.gather [hbm4b:s5+s3], $0x80, v3, vm0, $0xb8;
	[tilespmem:$0x10080] =	vst v63  }
0x90: {  	_ = 	snop  }
0x91: {  	[tilespmem:s26], [sflag:$0x1] =	stream.indirect_vreg.gather [hbm4b:s6+s3], $0x80, v3, vm0, $0xb8;
	[tilespmem:$0x10080] =	vst v63  }
0x92: {  	v3 =	vld [tilespmem:$0x10];
	_ =	sdelay $0x4  }
0x93: {  	v57 =	vshll.u32 v3, $0x3  }
0x94: {  	v3 =	vand.u32 $0x7, v3;
	v4 =	vand.u32 $0xFFFFFFC0, v57  }
0x95: {  	v3 =	vor.u32 v3, v4  }
0x96: {  	v4 =	vperm.xlane v3, v0;
	_ =	sdelay $0x1  }
0x97: {  	v4 =	vadd.s32 v1, v4;
	_ =	sdelay $0x4  }
0x98: {  	[tilespmem:s28], [sflag:$0x1] =	stream.indirect_vreg.gather [hbm4b:s1+s3], $0x80, v4, vm0, $0xb8;
	[tilespmem:$0x10080] =	vst v63  }
0x99: {  	v3 =	vperm.xlane v3, v2  }
0x9a: {  	[tilespmem:s29], [sflag:$0x1] =	stream.indirect_vreg.gather [hbm4b:s4+s3], $0x80, v4, vm0, $0xb8;
	[tilespmem:$0x10080] =	vst v63  }
0x9b: {  	v3 =	vadd.s32 v1, v3  }
0x9c: {  	[tilespmem:s30], [sflag:$0x1] =	stream.indirect_vreg.gather [hbm4b:s5+s3], $0x80, v4, vm0, $0xb8;
	[tilespmem:$0x10080] =	vst v63  }
0x9d: {  	_ = 	snop  }
0x9e: {  	[tilespmem:s31], [sflag:$0x1] =	stream.indirect_vreg.gather [hbm4b:s6+s3], $0x80, v4, vm0, $0xb8;
	[tilespmem:$0x10080] =	vst v63  }
0x9f: {  	s19 =	simm.s32 $0x6080  }
0xa0: {  	[tilespmem:s19], [sflag:$0x1] =	stream.indirect_vreg.gather [hbm4b:s1+s3], $0x80, v3, vm0, $0xb8;
	[tilespmem:$0x10080] =	vst v63  }
0xa1: {  	_ = 	snop  }
0xa2: {  	[tilespmem:s2], [sflag:$0x1] =	stream.indirect_vreg.gather [hbm4b:s4+s3], $0x80, v3, vm0, $0xb8;
	[tilespmem:$0x10080] =	vst v63  }
0xa3: {  	_ = 	snop  }
0xa4: {  	[tilespmem:s10], [sflag:$0x1] =	stream.indirect_vreg.gather [hbm4b:s5+s3], $0x80, v3, vm0, $0xb8;
	[tilespmem:$0x10080] =	vst v63  }
0xa5: {  	_ = 	snop  }
0xa6: {  	[tilespmem:s11], [sflag:$0x1] =	stream.indirect_vreg.gather [hbm4b:s6+s3], $0x80, v3, vm0, $0xb8;
	[tilespmem:$0x10080] =	vst v63  }
0xa7: {  	v3 =	vld [tilespmem:$0x20];
	_ =	sdelay $0x4  }
0xa8: {  	v58 =	vshll.u32 v3, $0x3  }
0xa9: {  	v3 =	vand.u32 $0x7, v3;
	v4 =	vand.u32 $0xFFFFFFC0, v58  }
0xaa: {  	v3 =	vor.u32 v3, v4  }
0xab: {  	v4 =	vperm.xlane v3, v0;
	_ =	sdelay $0x1  }
0xac: {  	v4 =	vadd.s32 v1, v4;
	_ =	sdelay $0x4  }
0xad: {  	[tilespmem:s12], [sflag:$0x1] =	stream.indirect_vreg.gather [hbm4b:s1+s3], $0x80, v4, vm0, $0xb8;
	[tilespmem:$0x10080] =	vst v63  }
0xae: {  	v3 =	vperm.xlane v3, v2  }
0xaf: {  	[tilespmem:s13], [sflag:$0x1] =	stream.indirect_vreg.gather [hbm4b:s4+s3], $0x80, v4, vm0, $0xb8;
	[tilespmem:$0x10080] =	vst v63  }
0xb0: {  	v3 =	vadd.s32 v1, v3  }
0xb1: {  	[tilespmem:s14], [sflag:$0x1] =	stream.indirect_vreg.gather [hbm4b:s5+s3], $0x80, v4, vm0, $0xb8;
	[tilespmem:$0x10080] =	vst v63  }
0xb2: {  	_ = 	snop  }
0xb3: {  	[tilespmem:s15], [sflag:$0x1] =	stream.indirect_vreg.gather [hbm4b:s6+s3], $0x80, v4, vm0, $0xb8;
	[tilespmem:$0x10080] =	vst v63  }
0xb4: {  	_ = 	snop  }
0xb5: {  	[tilespmem:s16], [sflag:$0x1] =	stream.indirect_vreg.gather [hbm4b:s1+s3], $0x80, v3, vm0, $0xb8;
	[tilespmem:$0x10080] =	vst v63  }
0xb6: {  	_ = 	snop  }
0xb7: {  	[tilespmem:s17], [sflag:$0x1] =	stream.indirect_vreg.gather [hbm4b:s4+s3], $0x80, v3, vm0, $0xb8;
	[tilespmem:$0x10080] =	vst v63  }
0xb8: {  	_ = 	snop  }
0xb9: {  	[tilespmem:s9], [sflag:$0x1] =	stream.indirect_vreg.gather [hbm4b:s5+s3], $0x80, v3, vm0, $0xb8;
	[tilespmem:$0x10080] =	vst v63  }
0xba: {  	s19 =	simm.s32 $0xB880  }
0xbb: {  	[tilespmem:s19], [sflag:$0x1] =	stream.indirect_vreg.gather [hbm4b:s6+s3], $0x80, v3, vm0, $0xb8;
	[tilespmem:$0x10080] =	vst v63  }
0xbc: {  	v3 =	vld [tilespmem:$0x30];
	_ =	sdelay $0x4  }
0xbd: {  	v59 =	vshll.u32 v3, $0x3  }
0xbe: {  	v3 =	vand.u32 $0x7, v3;
	v4 =	vand.u32 $0xFFFFFFC0, v59  }
0xbf: {  	v3 =	vor.u32 v3, v4  }
0xc0: {  	v4 =	vperm.xlane v3, v0;
	_ =	sdelay $0x1  }
0xc1: {  	v4 =	vadd.s32 v1, v4;
	_ =	sdelay $0x3  }
0xc2: {  	s19 =	simm.s32 $0xC080  }
0xc3: {  	[tilespmem:s19], [sflag:$0x1] =	stream.indirect_vreg.gather [hbm4b:s1+s3], $0x80, v4, vm0, $0xb8;
	[tilespmem:$0x10080] =	vst v63  }
0xc4: {  	v3 =	vperm.xlane v3, v2;
	s19 =	simm.s32 $0xC880  }
0xc5: {  	[tilespmem:s19], [sflag:$0x1] =	stream.indirect_vreg.gather [hbm4b:s4+s3], $0x80, v4, vm0, $0xb8;
	[tilespmem:$0x10080] =	vst v63  }
0xc6: {  	v3 =	vadd.s32 v1, v3;
	s19 =	simm.s32 $0xD080  }
0xc7: {  	[tilespmem:s19], [sflag:$0x1] =	stream.indirect_vreg.gather [hbm4b:s5+s3], $0x80, v4, vm0, $0xb8;
	[tilespmem:$0x10080] =	vst v63  }
0xc8: {  	s19 =	simm.s32 $0xD880  }
0xc9: {  	[tilespmem:s19], [sflag:$0x1] =	stream.indirect_vreg.gather [hbm4b:s6+s3], $0x80, v4, vm0, $0xb8;
	[tilespmem:$0x10080] =	vst v63  }
0xca: {  	s19 =	simm.s32 $0xE080  }
0xcb: {  	[tilespmem:s19], [sflag:$0x1] =	stream.indirect_vreg.gather [hbm4b:s1+s3], $0x80, v3, vm0, $0xb8;
	[tilespmem:$0x10080] =	vst v63  }
0xcc: {  	s19 =	simm.s32 $0xE880  }
0xcd: {  	[tilespmem:s19], [sflag:$0x1] =	stream.indirect_vreg.gather [hbm4b:s4+s3], $0x80, v3, vm0, $0xb8;
	[tilespmem:$0x10080] =	vst v63  }
0xce: {  	s19 =	simm.s32 $0xF080  }
0xcf: {  	[tilespmem:s19], [sflag:$0x1] =	stream.indirect_vreg.gather [hbm4b:s5+s3], $0x80, v3, vm0, $0xb8;
	[tilespmem:$0x10080] =	vst v63  }
0xd0: {  	s19 =	simm.s32 $0xF880  }
0xd1: {  	[tilespmem:s19], [sflag:$0x1] =	stream.indirect_vreg.gather [hbm4b:s6+s3], $0x80, v3, vm0, $0xb8;
	[tilespmem:$0x10080] =	vst v63  }
0xd2: {  	_ =	swait.ge [sflag:s18], $0x10000  }
0xd3: {  	[sflag:s18] =	ssyncset.done $0x0  }
0xd4: {  	s19 =	rddreg [dreg:$0x7];
	[sflag:s18] =	ssyncadd.s32 $0xFFFF0000  }
0xd5: {  	[hbm4b:s19+s3] =	stream.linear.scatter [tilespmem:s0], [sflag:$0x2], $0x10000, $0x38;
	[tilespmem:$0x10080] =	vst v63  }
0xd6: {  	_ =	swait.ge [sflag:s8], $0x10000  }
0xd7: {  	[sflag:s8] =	ssyncset.done $0x0  }
0xd8: {  	s19 =	rddreg [dreg:$0x8];
	[sflag:s8] =	ssyncadd.s32 $0xFFFF0000  }
0xd9: {  	[tilespmem:s3], [sflag:$0x2] =	stream.linear.gather [hbm4b:s19+s3], $0x40, $0x38;
	[tilespmem:$0x10080] =	vst v63  }
0xda: {  	_ =	swait.ge [sflag:s8], $0x40  }
0xdb: {  	[sflag:s8] =	ssyncset.done $0x0  }
0xdc: {  	[sflag:s8] =	ssyncadd.s32 $0xFFFFFFC0  }
0xdd: {  	v3 =	vld [tilespmem:$0x0];
	_ =	sdelay $0x4  }
0xde: {  	v60 =	vshll.u32 v3, $0x3  }
0xdf: {  	v3 =	vand.u32 $0x7, v3;
	v4 =	vand.u32 $0xFFFFFFC0, v60  }
0xe0: {  	v3 =	vor.u32 v3, v4  }
0xe1: {  	v4 =	vperm.xlane v3, v0;
	_ =	sdelay $0x1  }
0xe2: {  	v4 =	vadd.s32 v1, v4;
	_ =	sdelay $0x4  }
0xe3: {  	[tilespmem:s0], [sflag:$0x1] =	stream.indirect_vreg.gather [hbm4b:s1+s3], $0x80, v4, vm0, $0xb8;
	[tilespmem:$0x10080] =	vst v63  }
0xe4: {  	v3 =	vperm.xlane v3, v2  }
0xe5: {  	[tilespmem:s20], [sflag:$0x1] =	stream.indirect_vreg.gather [hbm4b:s4+s3], $0x80, v4, vm0, $0xb8;
	[tilespmem:$0x10080] =	vst v63  }
0xe6: {  	v3 =	vadd.s32 v1, v3  }
0xe7: {  	[tilespmem:s21], [sflag:$0x1] =	stream.indirect_vreg.gather [hbm4b:s5+s3], $0x80, v4, vm0, $0xb8;
	[tilespmem:$0x10080] =	vst v63  }
0xe8: {  	_ = 	snop  }
0xe9: {  	[tilespmem:s22], [sflag:$0x1] =	stream.indirect_vreg.gather [hbm4b:s6+s3], $0x80, v4, vm0, $0xb8;
	[tilespmem:$0x10080] =	vst v63  }
0xea: {  	_ = 	snop  }
0xeb: {  	[tilespmem:s23], [sflag:$0x1] =	stream.indirect_vreg.gather [hbm4b:s1+s3], $0x80, v3, vm0, $0xb8;
	[tilespmem:$0x10080] =	vst v63  }
0xec: {  	_ = 	snop  }
0xed: {  	[tilespmem:s24], [sflag:$0x1] =	stream.indirect_vreg.gather [hbm4b:s4+s3], $0x80, v3, vm0, $0xb8;
	[tilespmem:$0x10080] =	vst v63  }
0xee: {  	_ = 	snop  }
0xef: {  	[tilespmem:s25], [sflag:$0x1] =	stream.indirect_vreg.gather [hbm4b:s5+s3], $0x80, v3, vm0, $0xb8;
	[tilespmem:$0x10080] =	vst v63  }
0xf0: {  	_ = 	snop  }
0xf1: {  	[tilespmem:s26], [sflag:$0x1] =	stream.indirect_vreg.gather [hbm4b:s6+s3], $0x80, v3, vm0, $0xb8;
	[tilespmem:$0x10080] =	vst v63  }
0xf2: {  	v3 =	vld [tilespmem:$0x10];
	_ =	sdelay $0x4  }
0xf3: {  	v61 =	vshll.u32 v3, $0x3  }
0xf4: {  	v3 =	vand.u32 $0x7, v3;
	v4 =	vand.u32 $0xFFFFFFC0, v61  }
0xf5: {  	v3 =	vor.u32 v3, v4  }
0xf6: {  	v4 =	vperm.xlane v3, v0;
	_ =	sdelay $0x1  }
0xf7: {  	v4 =	vadd.s32 v1, v4;
	_ =	sdelay $0x4  }
0xf8: {  	[tilespmem:s28], [sflag:$0x1] =	stream.indirect_vreg.gather [hbm4b:s1+s3], $0x80, v4, vm0, $0xb8;
	[tilespmem:$0x10080] =	vst v63  }
0xf9: {  	v3 =	vperm.xlane v3, v2  }
0xfa: {  	[tilespmem:s29], [sflag:$0x1] =	stream.indirect_vreg.gather [hbm4b:s4+s3], $0x80, v4, vm0, $0xb8;
	[tilespmem:$0x10080] =	vst v63  }
0xfb: {  	v3 =	vadd.s32 v1, v3  }
0xfc: {  	[tilespmem:s30], [sflag:$0x1] =	stream.indirect_vreg.gather [hbm4b:s5+s3], $0x80, v4, vm0, $0xb8;
	[tilespmem:$0x10080] =	vst v63  }
0xfd: {  	_ = 	snop  }
0xfe: {  	[tilespmem:s31], [sflag:$0x1] =	stream.indirect_vreg.gather [hbm4b:s6+s3], $0x80, v4, vm0, $0xb8;
	[tilespmem:$0x10080] =	vst v63  }
0xff: {  	s19 =	simm.s32 $0x6080  }
0x100: {  	[tilespmem:s19], [sflag:$0x1] =	stream.indirect_vreg.gather [hbm4b:s1+s3], $0x80, v3, vm0, $0xb8;
	[tilespmem:$0x10080] =	vst v63  }
0x101: {  	_ = 	snop  }
0x102: {  	[tilespmem:s2], [sflag:$0x1] =	stream.indirect_vreg.gather [hbm4b:s4+s3], $0x80, v3, vm0, $0xb8;
	[tilespmem:$0x10080] =	vst v63  }
0x103: {  	_ = 	snop  }
0x104: {  	[tilespmem:s10], [sflag:$0x1] =	stream.indirect_vreg.gather [hbm4b:s5+s3], $0x80, v3, vm0, $0xb8;
	[tilespmem:$0x10080] =	vst v63  }
0x105: {  	_ = 	snop  }
0x106: {  	[tilespmem:s11], [sflag:$0x1] =	stream.indirect_vreg.gather [hbm4b:s6+s3], $0x80, v3, vm0, $0xb8;
	[tilespmem:$0x10080] =	vst v63  }
0x107: {  	v3 =	vld [tilespmem:$0x20];
	_ =	sdelay $0x4  }
0x108: {  	v62 =	vshll.u32 v3, $0x3  }
0x109: {  	v3 =	vand.u32 $0x7, v3;
	v4 =	vand.u32 $0xFFFFFFC0, v62  }
0x10a: {  	v3 =	vor.u32 v3, v4  }
0x10b: {  	v4 =	vperm.xlane v3, v0;
	_ =	sdelay $0x1  }
0x10c: {  	v4 =	vadd.s32 v1, v4;
	_ =	sdelay $0x4  }
0x10d: {  	[tilespmem:s12], [sflag:$0x1] =	stream.indirect_vreg.gather [hbm4b:s1+s3], $0x80, v4, vm0, $0xb8;
	[tilespmem:$0x10080] =	vst v63  }
0x10e: {  	v3 =	vperm.xlane v3, v2  }
0x10f: {  	[tilespmem:s13], [sflag:$0x1] =	stream.indirect_vreg.gather [hbm4b:s4+s3], $0x80, v4, vm0, $0xb8;
	[tilespmem:$0x10080] =	vst v63  }
0x110: {  	v3 =	vadd.s32 v1, v3  }
0x111: {  	[tilespmem:s14], [sflag:$0x1] =	stream.indirect_vreg.gather [hbm4b:s5+s3], $0x80, v4, vm0, $0xb8;
	[tilespmem:$0x10080] =	vst v63  }
0x112: {  	_ = 	snop  }
0x113: {  	[tilespmem:s15], [sflag:$0x1] =	stream.indirect_vreg.gather [hbm4b:s6+s3], $0x80, v4, vm0, $0xb8;
	[tilespmem:$0x10080] =	vst v63  }
0x114: {  	_ = 	snop  }
0x115: {  	[tilespmem:s16], [sflag:$0x1] =	stream.indirect_vreg.gather [hbm4b:s1+s3], $0x80, v3, vm0, $0xb8;
	[tilespmem:$0x10080] =	vst v63  }
0x116: {  	_ = 	snop  }
0x117: {  	[tilespmem:s17], [sflag:$0x1] =	stream.indirect_vreg.gather [hbm4b:s4+s3], $0x80, v3, vm0, $0xb8;
	[tilespmem:$0x10080] =	vst v63  }
0x118: {  	_ = 	snop  }
0x119: {  	[tilespmem:s9], [sflag:$0x1] =	stream.indirect_vreg.gather [hbm4b:s5+s3], $0x80, v3, vm0, $0xb8;
	[tilespmem:$0x10080] =	vst v63  }
0x11a: {  	s19 =	simm.s32 $0xB880  }
0x11b: {  	[tilespmem:s19], [sflag:$0x1] =	stream.indirect_vreg.gather [hbm4b:s6+s3], $0x80, v3, vm0, $0xb8;
	[tilespmem:$0x10080] =	vst v63  }
0x11c: {  	v3 =	vld [tilespmem:$0x30];
	_ =	sdelay $0x4  }
0x11d: {  	v63 =	vshll.u32 v3, $0x3  }
0x11e: {  	v3 =	vand.u32 $0x7, v3;
	v4 =	vand.u32 $0xFFFFFFC0, v63  }
0x11f: {  	v3 =	vor.u32 v3, v4  }
0x120: {  	v4 =	vperm.xlane v3, v0;
	_ =	sdelay $0x1  }
0x121: {  	v4 =	vadd.s32 v1, v4;
	_ =	sdelay $0x3  }
0x122: {  	s19 =	simm.s32 $0xC080  }
0x123: {  	[tilespmem:s19], [sflag:$0x1] =	stream.indirect_vreg.gather [hbm4b:s1+s3], $0x80, v4, vm0, $0xb8;
	[tilespmem:$0x10080] =	vst v63  }
0x124: {  	v3 =	vperm.xlane v3, v2;
	s19 =	simm.s32 $0xC880  }
0x125: {  	[tilespmem:s19], [sflag:$0x1] =	stream.indirect_vreg.gather [hbm4b:s4+s3], $0x80, v4, vm0, $0xb8;
	[tilespmem:$0x10080] =	vst v63  }
0x126: {  	v3 =	vadd.s32 v1, v3;
	s19 =	simm.s32 $0xD080  }
0x127: {  	[tilespmem:s19], [sflag:$0x1] =	stream.indirect_vreg.gather [hbm4b:s5+s3], $0x80, v4, vm0, $0xb8;
	[tilespmem:$0x10080] =	vst v63  }
0x128: {  	s19 =	simm.s32 $0xD880  }
0x129: {  	[tilespmem:s19], [sflag:$0x1] =	stream.indirect_vreg.gather [hbm4b:s6+s3], $0x80, v4, vm0, $0xb8;
	[tilespmem:$0x10080] =	vst v63  }
0x12a: {  	s19 =	simm.s32 $0xE080  }
0x12b: {  	[tilespmem:s19], [sflag:$0x1] =	stream.indirect_vreg.gather [hbm4b:s1+s3], $0x80, v3, vm0, $0xb8;
	[tilespmem:$0x10080] =	vst v63  }
0x12c: {  	s19 =	simm.s32 $0xE880  }
0x12d: {  	[tilespmem:s19], [sflag:$0x1] =	stream.indirect_vreg.gather [hbm4b:s4+s3], $0x80, v3, vm0, $0xb8;
	[tilespmem:$0x10080] =	vst v63  }
0x12e: {  	s19 =	simm.s32 $0xF080  }
0x12f: {  	[tilespmem:s19], [sflag:$0x1] =	stream.indirect_vreg.gather [hbm4b:s5+s3], $0x80, v3, vm0, $0xb8;
	[tilespmem:$0x10080] =	vst v63  }
0x130: {  	s19 =	simm.s32 $0xF880  }
0x131: {  	[tilespmem:s19], [sflag:$0x1] =	stream.indirect_vreg.gather [hbm4b:s6+s3], $0x80, v3, vm0, $0xb8;
	[tilespmem:$0x10080] =	vst v63  }
0x132: {  	_ =	swait.ge [sflag:s18], $0x10000  }
0x133: {  	p0 =	sne.s32 s7, $0x1;
	[sflag:s18] =	ssyncset.done $0x0  }
.Ltmp0:
0x134: {  	s2 =	rddreg [dreg:$0x9];
	[sflag:s18] =	ssyncadd.s32 $0xFFFF0000;
	(pc) =	sbr.rel @p0 .LBB2_1-.Ltmp0, $4  }
0x135: {  	[hbm4b:s2+s3] =	stream.linear.scatter [tilespmem:s0], [sflag:$0x2], $0x10000, $0x38;
	[tilespmem:$0x10080] =	vst v63  }
0x136: {  	_ =	swait.ge [sflag:s8], $0x10000  }
0x137: {  	[sflag:s8] =	ssyncset.done $0x0  }
0x138: {  	s7 =	sadd.s32 $0xFFFFFFFF, s7;
	[sflag:s8] =	ssyncadd.s32 $0xFFFF0000  }
0x139: {  	_ =	sfence.sel $0x180000  }
0x13a: {  	[bflag:$0x0] =	sbarrier.arrive $0xFFFF  }
0x13b: {  	_ =	strace $0x90000047  }
0x13c: {  	s0 =	stileid.u32;
	[bflag:$0x2] =	sbarrier.arrive $0xFFFF  }
0x13d: {  	p0 =	sne.s32 s0, $0x0;
	s0 =	rddreg [dreg:$0x3]  }
0x13e: {  	s0 =	sadd.s32 @!p0 $0x100000, s0  }
0x13f: {  	[sflag:s0] =	ssyncadd.tile.s32 @!p0 $0x1;
	_ =	shalt  }
.Lfunc_end2:
_tile_overlayer_lowered:
.L_overlay_start_2:
0x140: {  	(tag) =	ssettag $0x2  }
0x141: {  	s0 =	rddreg [dreg:$0x0];
	s2 =	stileid.u32  }
0x142: {  	s1 =	rddreg [dreg:$0x1];
	p0 =	sne.s32 s2, $0x0  }
0x143: {  	s3 =	rddreg [dreg:$0x2];
	[bflag:$0x3] =	sbarrier.arrive $0xFFFF;
	s2 =	simm.s32 @!p0 $0x1C02  }
0x144: {  	[timem:s3], [sflag:s2] =	dma.local @!p0 [hbm:s0], s1  }
0x145: {  	s0 =	simm.s32 @!p0 $0x2  }
0x146: {  	_ =	swait.ge @!p0 [sflag:s0], s1  }
0x147: {  	s1 =	ssub.s32 @!p0 $0x0, s1;
	[sflag:s0] =	ssyncset.done @!p0 $0x0  }
0x148: {  	[sflag:s0] =	ssyncadd.s32 @!p0 s1  }
0x149: {  	[bflag:$0x3] =	sbarrier.arrive $0xFFFF  }
0x14a: {  	_ =	shalt  }

</sc_bundles>
